<compile_context>
chip_gen: v7x
topology: tpu7x:2x2x1
jax: 0.10.2.dev20260603
libtpu: 0.0.44.dev20260713+nightly
codegen_flags: <defaults>
</compile_context>

<pallas_src>
import functools

import jax
import jax.numpy as jnp
from jax import lax
from jax.experimental import pallas as pl
from jax.experimental.pallas import tpu as pltpu
from jax.experimental.pallas import tpu_sc as plsc

B, T, INPUT_DIM = 16, 1024, 256
NUM_GROUPS = 8
CODES_PER_GROUP = 1024
GROUP_DIM = INPUT_DIM // NUM_GROUPS
N = B * T

ROWS_PER_BLOCK = 2048

_NC, _NS = 2, 16
_NW = _NC * _NS
_LOOKUPS = N * NUM_GROUPS
_PER_W = _LOOKUPS // _NW
_CHUNK = 1024


def _pq_body(x_ref, cb2_ref, cbn_ref, idx_ref, loss_ref):
    pid = pl.program_id(0)

    @pl.when(pid == 0)
    def _init():
        loss_ref[...] = jnp.zeros((1, 1), jnp.float32)

    acc = jnp.zeros((1, 1), jnp.float32)
    rows = x_ref.shape[0]
    iota_f = jax.lax.broadcasted_iota(
        jnp.int32, (rows, CODES_PER_GROUP), 1).astype(jnp.float32)
    for g in range(NUM_GROUPS):
        xg = x_ref[:, g * GROUP_DIM:(g + 1) * GROUP_DIM]
        xn = jnp.sum(xg * xg, axis=1, keepdims=True)
        mm2 = jax.lax.dot_general(
            xg, cb2_ref[g], (((1,), (1,)), ((), ())),
            preferred_element_type=jnp.float32)
        d = (xn + cbn_ref[g, :][None, :]) - mm2
        m = jnp.min(d, axis=1, keepdims=True)
        idx_f = jnp.min(jnp.where(d == m, iota_f, float(CODES_PER_GROUP)),
                        axis=1, keepdims=True)
        idx_ref[:, g:g + 1] = (idx_f.astype(jnp.int32)
                               + g * CODES_PER_GROUP)
        acc = acc + jnp.sum(m, axis=0, keepdims=True)

    loss_ref[...] += acc


_sc_mesh = plsc.VectorSubcoreMesh(core_axis_name="c", subcore_axis_name="s")


@functools.partial(
    pl.kernel,
    mesh=_sc_mesh,
    compiler_params=pltpu.CompilerParams(use_tc_tiling_on_sc=False),
    out_type=jax.ShapeDtypeStruct((_LOOKUPS, GROUP_DIM), jnp.float32),
    scratch_types=[
        pltpu.VMEM((2, _CHUNK), jnp.int32),
        pltpu.VMEM((2, _CHUNK, GROUP_DIM), jnp.float32),
        pltpu.SemaphoreType.DMA,
        pltpu.SemaphoreType.DMA,
    ],
)
def _sc_gather(table_hbm, gidx_hbm, out_hbm, idx_v, rows_v, sem0, sem1):
    wid = lax.axis_index("s") * _NC + lax.axis_index("c")
    base = wid * _PER_W
    n_chunks = _PER_W // _CHUNK
    sems = (sem0, sem1)
    pltpu.sync_copy(gidx_hbm.at[pl.ds(base, _CHUNK)], idx_v.at[0])
    gathers = [pltpu.async_copy(table_hbm.at[idx_v.at[0]], rows_v.at[0],
                                sems[0]), None]
    for c in range(n_chunks):
        cur = c % 2
        if c + 1 < n_chunks:
            nxt = (c + 1) % 2
            off = base + (c + 1) * _CHUNK
            pltpu.sync_copy(gidx_hbm.at[pl.ds(off, _CHUNK)], idx_v.at[nxt])
            gathers[nxt] = pltpu.async_copy(
                table_hbm.at[idx_v.at[nxt]], rows_v.at[nxt], sems[nxt])
        gathers[cur].wait()
        pltpu.sync_copy(rows_v.at[cur],
                        out_hbm.at[pl.ds(base + c * _CHUNK, _CHUNK)])


@jax.jit
def kernel(x, codebooks):
    original_shape = x.shape
    if x.ndim == 2:
        x3 = x[:, None, :]
    else:
        x3 = x
    Bd, Td, Dd = x3.shape
    n = Bd * Td
    xf = x3.reshape(n, Dd)

    cbn = jnp.sum(codebooks**2, axis=2)
    cb2 = codebooks * 2.0

    rows = min(ROWS_PER_BLOCK, n)
    grid = (n // rows,)

    gidx, loss_sum = pl.pallas_call(
        _pq_body,
        grid=grid,
        in_specs=[
            pl.BlockSpec((rows, Dd), lambda i: (i, 0)),
            pl.BlockSpec((NUM_GROUPS, CODES_PER_GROUP, GROUP_DIM),
                         lambda i: (0, 0, 0)),
            pl.BlockSpec((NUM_GROUPS, CODES_PER_GROUP), lambda i: (0, 0)),
        ],
        out_specs=[
            pl.BlockSpec((rows, NUM_GROUPS), lambda i: (i, 0)),
            pl.BlockSpec((1, 1), lambda i: (0, 0)),
        ],
        out_shape=[
            jax.ShapeDtypeStruct((n, NUM_GROUPS), jnp.int32),
            jax.ShapeDtypeStruct((1, 1), jnp.float32),
        ],
    )(xf, cb2, cbn)

    table = codebooks.reshape(NUM_GROUPS * CODES_PER_GROUP, GROUP_DIM)
    xqflat = _sc_gather(table, gidx.reshape(-1))

    x_q = xqflat.reshape(original_shape)
    losses = loss_sum[0, 0] * (2.0 / (n * GROUP_DIM))
    offs = jnp.arange(NUM_GROUPS, dtype=jnp.int32) * CODES_PER_GROUP
    indices = (gidx - offs[None, :]).reshape(Bd, Td, NUM_GROUPS)
    if len(original_shape) == 2:
        indices = indices[:, 0, :]
    return (x_q, losses, indices)

# --- scband reference (transcript-rebuilt; emitter-appended) ---
"""Pipeline reference for scband-product-quantizer-6133213299069 (READ-ONLY COPY).

The authoritative reference and input builder live on the scoring server;
editing this copy changes nothing except your own understanding.
"""

import jax, jax.numpy as jnp
import numpy as np

B, T, INPUT_DIM = 16, 1024, 256
NUM_GROUPS = 8
CODES_PER_GROUP = 1024
GROUP_DIM = INPUT_DIM // NUM_GROUPS


def setup_inputs(seed: int = 0) -> dict:
    key = jax.random.key(seed)
    k1, k2 = jax.random.split(key)
    x = jax.random.normal(k1, (B, T, INPUT_DIM), dtype=jnp.float32)
    # nn.Embedding weights initialized uniform(-1/codes_per_group, 1/codes_per_group)
    codebooks = jax.random.uniform(
        k2, (NUM_GROUPS, CODES_PER_GROUP, GROUP_DIM),
        minval=-1.0 / CODES_PER_GROUP, maxval=1.0 / CODES_PER_GROUP,
        dtype=jnp.float32)
    return {"x": x, "codebooks": codebooks}


def reference(x, codebooks):
    sg = jax.lax.stop_gradient
    original_shape = x.shape
    if x.ndim == 2:
        x = x[:, None, :]
    Bd, Td, Dd = x.shape
    G = codebooks.shape[0]
    gd = Dd // G
    x_groups = x.reshape(Bd, Td, G, gd)
    quantized_groups = []
    indices_list = []
    losses = jnp.float32(0.0)
    for i in range(G):
        cb = codebooks[i]
        x_g = x_groups[:, :, i, :]
        x_flat = x_g.reshape(-1, gd)
        d = (jnp.sum(x_flat ** 2, axis=1, keepdims=True)
             + jnp.sum(cb ** 2, axis=1)
             - 2.0 * jnp.matmul(x_flat, cb.T))
        idx = jnp.argmin(d, axis=1)
        x_q_g = jnp.take(cb, idx, axis=0).reshape(Bd, Td, gd)
        loss_g = jnp.mean((sg(x_q_g) - x_g) ** 2) + jnp.mean((x_q_g - sg(x_g)) ** 2)
        x_q_g = x_g + sg(x_q_g - x_g)
        quantized_groups.append(x_q_g)
        indices_list.append(idx.reshape(Bd, Td))
        losses = losses + loss_g
    x_q = jnp.concatenate(quantized_groups, axis=-1).reshape(original_shape)
    indices = jnp.stack(indices_list, axis=-1)
    if len(original_shape) == 2:
        indices = indices[:, 0, :]
    return (x_q, losses, indices)

if __name__ == "__main__":
    import jax
    _d = setup_inputs()
    print(jax.jit(kernel)(*tuple(_d.values())))

</pallas_src>

<mosaic_0001>
#map = affine_map<(d0, d1) -> (0, 0)>
#map1 = affine_map<(d0, d1) -> (0)>
module attributes {stable_mosaic.version = 14 : i64} {
  func.func @_sc_gather(%arg0: i32, %arg1: i32, %arg2: memref<8192x32xf32, #tpu.memory_space<hbm>>, %arg3: memref<131072xi32, #tpu.memory_space<hbm>>, %arg4: memref<131072x32xf32, #tpu.memory_space<hbm>>, %arg5: memref<2x1024xi32, #tpu.memory_space<vmem>>, %arg6: memref<2x1024x32xf32, #tpu.memory_space<vmem>>, %arg7: memref<!tpu.dma_semaphore, #tpu.memory_space<semaphore_mem>>, %arg8: memref<!tpu.dma_semaphore, #tpu.memory_space<semaphore_mem>>) attributes {dimension_semantics = [#tpu.dimension_semantics<core_parallel>, #tpu.dimension_semantics<subcore_parallel>], iteration_bounds = array<i64: 2, 16>, scalar_prefetch = 0 : i64, scratch_operands = 4 : i64, tpu.core_type = #tpu.core_type<sc_vector_subcore>, window_params = [{transform_indices = #map}, {transform_indices = #map1}, {transform_indices = #map}]} {
    %mul3A = arith.constant 2 : i32
    %mul3A_0 = arith.muli %arg1, %mul3A : i32
    %add3A = arith.addi %mul3A_0, %arg0 : i32
    %mul3A_1 = arith.constant 4096 : i32
    %mul3A_2 = arith.muli %add3A, %mul3A_1 : i32
    %run_scoped3A = arith.constant 0 : i32
    "tpu.region"() ({
      %run_scoped3A_118 = tpu.sem_alloc : memref<!tpu.dma_semaphore, #tpu.memory_space<semaphore_mem>>
      %dma_start3A_119 = arith.constant 0 : i32
      %dma_start3A_120 = tpu.memref_slice %arg5[%run_scoped3A, %dma_start3A_119] : memref<2x1024xi32, #tpu.memory_space<vmem>> -> memref<1x1024xi32, #tpu.memory_space<vmem>>
      %dma_start3A_121 = tpu.memref_squeeze %dma_start3A_120 : memref<1x1024xi32, #tpu.memory_space<vmem>> -> memref<1024xi32, #tpu.memory_space<vmem>>
      %dma_start3A_122 = tpu.memref_slice %arg3[%mul3A_2] : memref<131072xi32, #tpu.memory_space<hbm>> -> memref<1024xi32, #tpu.memory_space<hbm>>
      %dma_start3A_123 = arith.constant 0 : i32
      %dma_start3A_124 = tpu.memref_slice %arg5[%run_scoped3A, %dma_start3A_123] : memref<2x1024xi32, #tpu.memory_space<vmem>> -> memref<1x1024xi32, #tpu.memory_space<vmem>>
      %dma_start3A_125 = tpu.memref_squeeze %dma_start3A_124 : memref<1x1024xi32, #tpu.memory_space<vmem>> -> memref<1024xi32, #tpu.memory_space<vmem>>
      %dma_start3A_126 = tpu.memref_slice %arg3[%mul3A_2] : memref<131072xi32, #tpu.memory_space<hbm>> -> memref<1024xi32, #tpu.memory_space<hbm>>
      tpu.enqueue_dma source(%dma_start3A_126 : memref<1024xi32, #tpu.memory_space<hbm>>) target(%dma_start3A_125 : memref<1024xi32, #tpu.memory_space<vmem>>) target_semaphore(%run_scoped3A_118 : memref<!tpu.dma_semaphore, #tpu.memory_space<semaphore_mem>>)
      %dma_wait3A_127 = arith.constant 0 : i32
      %dma_wait3A_128 = tpu.memref_slice %arg5[%run_scoped3A, %dma_wait3A_127] : memref<2x1024xi32, #tpu.memory_space<vmem>> -> memref<1x1024xi32, #tpu.memory_space<vmem>>
      %dma_wait3A_129 = tpu.memref_squeeze %dma_wait3A_128 : memref<1x1024xi32, #tpu.memory_space<vmem>> -> memref<1024xi32, #tpu.memory_space<vmem>>
      %dma_wait3A_130 = tpu.memref_slice %arg3[%mul3A_2] : memref<131072xi32, #tpu.memory_space<hbm>> -> memref<1024xi32, #tpu.memory_space<hbm>>
      %dma_wait3A_131 = arith.constant 0 : i32
      %dma_wait3A_132 = tpu.memref_slice %arg5[%run_scoped3A, %dma_wait3A_131] : memref<2x1024xi32, #tpu.memory_space<vmem>> -> memref<1x1024xi32, #tpu.memory_space<vmem>>
      %dma_wait3A_133 = tpu.memref_squeeze %dma_wait3A_132 : memref<1x1024xi32, #tpu.memory_space<vmem>> -> memref<1024xi32, #tpu.memory_space<vmem>>
      %dma_wait3A_134 = tpu.memref_slice %arg3[%mul3A_2] : memref<131072xi32, #tpu.memory_space<hbm>> -> memref<1024xi32, #tpu.memory_space<hbm>>
      tpu.wait_dma2 semaphore(%run_scoped3A_118 : memref<!tpu.dma_semaphore, #tpu.memory_space<semaphore_mem>>) src(%dma_wait3A_134 : memref<1024xi32, #tpu.memory_space<hbm>>) dst(%dma_wait3A_133 : memref<1024xi32, #tpu.memory_space<vmem>>)
      tpu.yield
    }) : () -> ()
    %dma_start3A = arith.constant 0 : i32
    %dma_start3A_3 = arith.constant 0 : i32
    %dma_start3A_4 = arith.constant 0 : i32
    %dma_start3A_5 = arith.constant 0 : i32
    %dma_start3A_6 = tpu.memref_slice %arg6[%dma_start3A_3, %dma_start3A_4, %dma_start3A_5] : memref<2x1024x32xf32, #tpu.memory_space<vmem>> -> memref<1x1024x32xf32, #tpu.memory_space<vmem>>
    %dma_start3A_7 = tpu.memref_squeeze %dma_start3A_6 : memref<1x1024x32xf32, #tpu.memory_space<vmem>> -> memref<1024x32xf32, #tpu.memory_space<vmem>>
    %dma_start3A_8 = arith.constant 0 : i32
    %dma_start3A_9 = tpu.memref_slice %arg5[%dma_start3A, %dma_start3A_8] : memref<2x1024xi32, #tpu.memory_space<vmem>> -> memref<1x1024xi32, #tpu.memory_space<vmem>>
    %dma_start3A_10 = tpu.memref_squeeze %dma_start3A_9 : memref<1x1024xi32, #tpu.memory_space<vmem>> -> memref<1024xi32, #tpu.memory_space<vmem>>
    %dma_start3A_11 = arith.constant 0 : i32
    %dma_start3A_12 = arith.constant 0 : i32
    %dma_start3A_13 = tpu.memref_slice %arg2[%dma_start3A_11, %dma_start3A_12] : memref<8192x32xf32, #tpu.memory_space<hbm>> -> memref<8192x32xf32, #tpu.memory_space<hbm>>
    tpu.enqueue_indirect_dma source(%dma_start3A_13 : memref<8192x32xf32, #tpu.memory_space<hbm>>) target(%dma_start3A_7 : memref<1024x32xf32, #tpu.memory_space<vmem>>) offsets(%dma_start3A_10 : memref<1024xi32, #tpu.memory_space<vmem>>) semaphore(%arg7 : memref<!tpu.dma_semaphore, #tpu.memory_space<semaphore_mem>>)
    %add3A_14 = arith.constant 1024 : i32
    %add3A_15 = arith.addi %mul3A_2, %add3A_14 : i32
    %run_scoped3A_16 = arith.constant 1 : i32
    "tpu.region"() ({
      %run_scoped3A_118 = tpu.sem_alloc : memref<!tpu.dma_semaphore, #tpu.memory_space<semaphore_mem>>
      %dma_start3A_119 = arith.constant 0 : i32
      %dma_start3A_120 = tpu.memref_slice %arg5[%run_scoped3A_16, %dma_start3A_119] : memref<2x1024xi32, #tpu.memory_space<vmem>> -> memref<1x1024xi32, #tpu.memory_space<vmem>>
      %dma_start3A_121 = tpu.memref_squeeze %dma_start3A_120 : memref<1x1024xi32, #tpu.memory_space<vmem>> -> memref<1024xi32, #tpu.memory_space<vmem>>
      %dma_start3A_122 = tpu.memref_slice %arg3[%add3A_15] : memref<131072xi32, #tpu.memory_space<hbm>> -> memref<1024xi32, #tpu.memory_space<hbm>>
      %dma_start3A_123 = arith.constant 0 : i32
      %dma_start3A_124 = tpu.memref_slice %arg5[%run_scoped3A_16, %dma_start3A_123] : memref<2x1024xi32, #tpu.memory_space<vmem>> -> memref<1x1024xi32, #tpu.memory_space<vmem>>
      %dma_start3A_125 = tpu.memref_squeeze %dma_start3A_124 : memref<1x1024xi32, #tpu.memory_space<vmem>> -> memref<1024xi32, #tpu.memory_space<vmem>>
      %dma_start3A_126 = tpu.memref_slice %arg3[%add3A_15] : memref<131072xi32, #tpu.memory_space<hbm>> -> memref<1024xi32, #tpu.memory_space<hbm>>
      tpu.enqueue_dma source(%dma_start3A_126 : memref<1024xi32, #tpu.memory_space<hbm>>) target(%dma_start3A_125 : memref<1024xi32, #tpu.memory_space<vmem>>) target_semaphore(%run_scoped3A_118 : memref<!tpu.dma_semaphore, #tpu.memory_space<semaphore_mem>>)
      %dma_wait3A_127 = arith.constant 0 : i32
      %dma_wait3A_128 = tpu.memref_slice %arg5[%run_scoped3A_16, %dma_wait3A_127] : memref<2x1024xi32, #tpu.memory_space<vmem>> -> memref<1x1024xi32, #tpu.memory_space<vmem>>
      %dma_wait3A_129 = tpu.memref_squeeze %dma_wait3A_128 : memref<1x1024xi32, #tpu.memory_space<vmem>> -> memref<1024xi32, #tpu.memory_space<vmem>>
      %dma_wait3A_130 = tpu.memref_slice %arg3[%add3A_15] : memref<131072xi32, #tpu.memory_space<hbm>> -> memref<1024xi32, #tpu.memory_space<hbm>>
      %dma_wait3A_131 = arith.constant 0 : i32
      %dma_wait3A_132 = tpu.memref_slice %arg5[%run_scoped3A_16, %dma_wait3A_131] : memref<2x1024xi32, #tpu.memory_space<vmem>> -> memref<1x1024xi32, #tpu.memory_space<vmem>>
      %dma_wait3A_133 = tpu.memref_squeeze %dma_wait3A_132 : memref<1x1024xi32, #tpu.memory_space<vmem>> -> memref<1024xi32, #tpu.memory_space<vmem>>
      %dma_wait3A_134 = tpu.memref_slice %arg3[%add3A_15] : memref<131072xi32, #tpu.memory_space<hbm>> -> memref<1024xi32, #tpu.memory_space<hbm>>
      tpu.wait_dma2 semaphore(%run_scoped3A_118 : memref<!tpu.dma_semaphore, #tpu.memory_space<semaphore_mem>>) src(%dma_wait3A_134 : memref<1024xi32, #tpu.memory_space<hbm>>) dst(%dma_wait3A_133 : memref<1024xi32, #tpu.memory_space<vmem>>)
      tpu.yield
    }) : () -> ()
    %dma_start3A_17 = arith.constant 1 : i32
    %dma_start3A_18 = arith.constant 1 : i32
    %dma_start3A_19 = arith.constant 0 : i32
    %dma_start3A_20 = arith.constant 0 : i32
    %dma_start3A_21 = tpu.memref_slice %arg6[%dma_start3A_18, %dma_start3A_19, %dma_start3A_20] : memref<2x1024x32xf32, #tpu.memory_space<vmem>> -> memref<1x1024x32xf32, #tpu.memory_space<vmem>>
    %dma_start3A_22 = tpu.memref_squeeze %dma_start3A_21 : memref<1x1024x32xf32, #tpu.memory_space<vmem>> -> memref<1024x32xf32, #tpu.memory_space<vmem>>
    %dma_start3A_23 = arith.constant 0 : i32
    %dma_start3A_24 = tpu.memref_slice %arg5[%dma_start3A_17, %dma_start3A_23] : memref<2x1024xi32, #tpu.memory_space<vmem>> -> memref<1x1024xi32, #tpu.memory_space<vmem>>
    %dma_start3A_25 = tpu.memref_squeeze %dma_start3A_24 : memref<1x1024xi32, #tpu.memory_space<vmem>> -> memref<1024xi32, #tpu.memory_space<vmem>>
    %dma_start3A_26 = arith.constant 0 : i32
    %dma_start3A_27 = arith.constant 0 : i32
    %dma_start3A_28 = tpu.memref_slice %arg2[%dma_start3A_26, %dma_start3A_27] : memref<8192x32xf32, #tpu.memory_space<hbm>> -> memref<8192x32xf32, #tpu.memory_space<hbm>>
    tpu.enqueue_indirect_dma source(%dma_start3A_28 : memref<8192x32xf32, #tpu.memory_space<hbm>>) target(%dma_start3A_22 : memref<1024x32xf32, #tpu.memory_space<vmem>>) offsets(%dma_start3A_25 : memref<1024xi32, #tpu.memory_space<vmem>>) semaphore(%arg8 : memref<!tpu.dma_semaphore, #tpu.memory_space<semaphore_mem>>)
    %dma_wait3A = arith.constant 0 : i32
    %dma_wait3A_29 = arith.constant 0 : i32
    %dma_wait3A_30 = arith.constant 0 : i32
    %dma_wait3A_31 = arith.constant 0 : i32
    %dma_wait3A_32 = tpu.memref_slice %arg6[%dma_wait3A_29, %dma_wait3A_30, %dma_wait3A_31] : memref<2x1024x32xf32, #tpu.memory_space<vmem>> -> memref<1x1024x32xf32, #tpu.memory_space<vmem>>
    %dma_wait3A_33 = tpu.memref_squeeze %dma_wait3A_32 : memref<1x1024x32xf32, #tpu.memory_space<vmem>> -> memref<1024x32xf32, #tpu.memory_space<vmem>>
    %dma_wait3A_34 = arith.constant 0 : i32
    %dma_wait3A_35 = tpu.memref_slice %arg5[%dma_wait3A, %dma_wait3A_34] : memref<2x1024xi32, #tpu.memory_space<vmem>> -> memref<1x1024xi32, #tpu.memory_space<vmem>>
    %dma_wait3A_36 = tpu.memref_squeeze %dma_wait3A_35 : memref<1x1024xi32, #tpu.memory_space<vmem>> -> memref<1024xi32, #tpu.memory_space<vmem>>
    %dma_wait3A_37 = arith.constant 0 : i32
    %dma_wait3A_38 = arith.constant 0 : i32
    %dma_wait3A_39 = tpu.memref_slice %arg2[%dma_wait3A_37, %dma_wait3A_38] : memref<8192x32xf32, #tpu.memory_space<hbm>> -> memref<8192x32xf32, #tpu.memory_space<hbm>>
    tpu.wait_indirect_dma semaphore(%arg7 : memref<!tpu.dma_semaphore, #tpu.memory_space<semaphore_mem>>) src(%dma_wait3A_39 : memref<8192x32xf32, #tpu.memory_space<hbm>>) dst(%dma_wait3A_33 : memref<1024x32xf32, #tpu.memory_space<vmem>>)
    %add3A_40 = arith.constant 0 : i32
    %add3A_41 = arith.addi %mul3A_2, %add3A_40 : i32
    %run_scoped3A_42 = arith.constant 0 : i32
    "tpu.region"() ({
      %run_scoped3A_118 = tpu.sem_alloc : memref<!tpu.dma_semaphore, #tpu.memory_space<semaphore_mem>>
      %dma_start3A_119 = arith.constant 0 : i32
      %dma_start3A_120 = arith.constant 0 : i32
      %dma_start3A_121 = tpu.memref_slice %arg6[%run_scoped3A_42, %dma_start3A_119, %dma_start3A_120] : memref<2x1024x32xf32, #tpu.memory_space<vmem>> -> memref<1x1024x32xf32, #tpu.memory_space<vmem>>
      %dma_start3A_122 = tpu.memref_squeeze %dma_start3A_121 : memref<1x1024x32xf32, #tpu.memory_space<vmem>> -> memref<1024x32xf32, #tpu.memory_space<vmem>>
      %dma_start3A_123 = arith.constant 0 : i32
      %dma_start3A_124 = tpu.memref_slice %arg4[%add3A_41, %dma_start3A_123] : memref<131072x32xf32, #tpu.memory_space<hbm>> -> memref<1024x32xf32, #tpu.memory_space<hbm>>
      %dma_start3A_125 = arith.constant 0 : i32
      %dma_start3A_126 = tpu.memref_slice %arg4[%add3A_41, %dma_start3A_125] : memref<131072x32xf32, #tpu.memory_space<hbm>> -> memref<1024x32xf32, #tpu.memory_space<hbm>>
      %dma_start3A_127 = arith.constant 0 : i32
      %dma_start3A_128 = arith.constant 0 : i32
      %dma_start3A_129 = tpu.memref_slice %arg6[%run_scoped3A_42, %dma_start3A_127, %dma_start3A_128] : memref<2x1024x32xf32, #tpu.memory_space<vmem>> -> memref<1x1024x32xf32, #tpu.memory_space<vmem>>
      %dma_start3A_130 = tpu.memref_squeeze %dma_start3A_129 : memref<1x1024x32xf32, #tpu.memory_space<vmem>> -> memref<1024x32xf32, #tpu.memory_space<vmem>>
      tpu.enqueue_dma source(%dma_start3A_130 : memref<1024x32xf32, #tpu.memory_space<vmem>>) target(%dma_start3A_126 : memref<1024x32xf32, #tpu.memory_space<hbm>>) target_semaphore(%run_scoped3A_118 : memref<!tpu.dma_semaphore, #tpu.memory_space<semaphore_mem>>)
      %dma_wait3A_131 = arith.constant 0 : i32
      %dma_wait3A_132 = arith.constant 0 : i32
      %dma_wait3A_133 = tpu.memref_slice %arg6[%run_scoped3A_42, %dma_wait3A_131, %dma_wait3A_132] : memref<2x1024x32xf32, #tpu.memory_space<vmem>> -> memref<1x1024x32xf32, #tpu.memory_space<vmem>>
      %dma_wait3A_134 = tpu.memref_squeeze %dma_wait3A_133 : memref<1x1024x32xf32, #tpu.memory_space<vmem>> -> memref<1024x32xf32, #tpu.memory_space<vmem>>
      %dma_wait3A_135 = arith.constant 0 : i32
      %dma_wait3A_136 = tpu.memref_slice %arg4[%add3A_41, %dma_wait3A_135] : memref<131072x32xf32, #tpu.memory_space<hbm>> -> memref<1024x32xf32, #tpu.memory_space<hbm>>
      %dma_wait3A_137 = arith.constant 0 : i32
      %dma_wait3A_138 = tpu.memref_slice %arg4[%add3A_41, %dma_wait3A_137] : memref<131072x32xf32, #tpu.memory_space<hbm>> -> memref<1024x32xf32, #tpu.memory_space<hbm>>
      %dma_wait3A_139 = arith.constant 0 : i32
      %dma_wait3A_140 = arith.constant 0 : i32
      %dma_wait3A_141 = tpu.memref_slice %arg6[%run_scoped3A_42, %dma_wait3A_139, %dma_wait3A_140] : memref<2x1024x32xf32, #tpu.memory_space<vmem>> -> memref<1x1024x32xf32, #tpu.memory_space<vmem>>
      %dma_wait3A_142 = tpu.memref_squeeze %dma_wait3A_141 : memref<1x1024x32xf32, #tpu.memory_space<vmem>> -> memref<1024x32xf32, #tpu.memory_space<vmem>>
      tpu.wait_dma2 semaphore(%run_scoped3A_118 : memref<!tpu.dma_semaphore, #tpu.memory_space<semaphore_mem>>) src(%dma_wait3A_142 : memref<1024x32xf32, #tpu.memory_space<vmem>>) dst(%dma_wait3A_138 : memref<1024x32xf32, #tpu.memory_space<hbm>>)
      tpu.yield
    }) : () -> ()
    %add3A_43 = arith.constant 2048 : i32
    %add3A_44 = arith.addi %mul3A_2, %add3A_43 : i32
    %run_scoped3A_45 = arith.constant 0 : i32
    "tpu.region"() ({
      %run_scoped3A_118 = tpu.sem_alloc : memref<!tpu.dma_semaphore, #tpu.memory_space<semaphore_mem>>
      %dma_start3A_119 = arith.constant 0 : i32
      %dma_start3A_120 = tpu.memref_slice %arg5[%run_scoped3A_45, %dma_start3A_119] : memref<2x1024xi32, #tpu.memory_space<vmem>> -> memref<1x1024xi32, #tpu.memory_space<vmem>>
      %dma_start3A_121 = tpu.memref_squeeze %dma_start3A_120 : memref<1x1024xi32, #tpu.memory_space<vmem>> -> memref<1024xi32, #tpu.memory_space<vmem>>
      %dma_start3A_122 = tpu.memref_slice %arg3[%add3A_44] : memref<131072xi32, #tpu.memory_space<hbm>> -> memref<1024xi32, #tpu.memory_space<hbm>>
      %dma_start3A_123 = arith.constant 0 : i32
      %dma_start3A_124 = tpu.memref_slice %arg5[%run_scoped3A_45, %dma_start3A_123] : memref<2x1024xi32, #tpu.memory_space<vmem>> -> memref<1x1024xi32, #tpu.memory_space<vmem>>
      %dma_start3A_125 = tpu.memref_squeeze %dma_start3A_124 : memref<1x1024xi32, #tpu.memory_space<vmem>> -> memref<1024xi32, #tpu.memory_space<vmem>>
      %dma_start3A_126 = tpu.memref_slice %arg3[%add3A_44] : memref<131072xi32, #tpu.memory_space<hbm>> -> memref<1024xi32, #tpu.memory_space<hbm>>
      tpu.enqueue_dma source(%dma_start3A_126 : memref<1024xi32, #tpu.memory_space<hbm>>) target(%dma_start3A_125 : memref<1024xi32, #tpu.memory_space<vmem>>) target_semaphore(%run_scoped3A_118 : memref<!tpu.dma_semaphore, #tpu.memory_space<semaphore_mem>>)
      %dma_wait3A_127 = arith.constant 0 : i32
      %dma_wait3A_128 = tpu.memref_slice %arg5[%run_scoped3A_45, %dma_wait3A_127] : memref<2x1024xi32, #tpu.memory_space<vmem>> -> memref<1x1024xi32, #tpu.memory_space<vmem>>
      %dma_wait3A_129 = tpu.memref_squeeze %dma_wait3A_128 : memref<1x1024xi32, #tpu.memory_space<vmem>> -> memref<1024xi32, #tpu.memory_space<vmem>>
      %dma_wait3A_130 = tpu.memref_slice %arg3[%add3A_44] : memref<131072xi32, #tpu.memory_space<hbm>> -> memref<1024xi32, #tpu.memory_space<hbm>>
      %dma_wait3A_131 = arith.constant 0 : i32
      %dma_wait3A_132 = tpu.memref_slice %arg5[%run_scoped3A_45, %dma_wait3A_131] : memref<2x1024xi32, #tpu.memory_space<vmem>> -> memref<1x1024xi32, #tpu.memory_space<vmem>>
      %dma_wait3A_133 = tpu.memref_squeeze %dma_wait3A_132 : memref<1x1024xi32, #tpu.memory_space<vmem>> -> memref<1024xi32, #tpu.memory_space<vmem>>
      %dma_wait3A_134 = tpu.memref_slice %arg3[%add3A_44] : memref<131072xi32, #tpu.memory_space<hbm>> -> memref<1024xi32, #tpu.memory_space<hbm>>
      tpu.wait_dma2 semaphore(%run_scoped3A_118 : memref<!tpu.dma_semaphore, #tpu.memory_space<semaphore_mem>>) src(%dma_wait3A_134 : memref<1024xi32, #tpu.memory_space<hbm>>) dst(%dma_wait3A_133 : memref<1024xi32, #tpu.memory_space<vmem>>)
      tpu.yield
    }) : () -> ()
    %dma_start3A_46 = arith.constant 0 : i32
    %dma_start3A_47 = arith.constant 0 : i32
    %dma_start3A_48 = arith.constant 0 : i32
    %dma_start3A_49 = arith.constant 0 : i32
    %dma_start3A_50 = tpu.memref_slice %arg6[%dma_start3A_47, %dma_start3A_48, %dma_start3A_49] : memref<2x1024x32xf32, #tpu.memory_space<vmem>> -> memref<1x1024x32xf32, #tpu.memory_space<vmem>>
    %dma_start3A_51 = tpu.memref_squeeze %dma_start3A_50 : memref<1x1024x32xf32, #tpu.memory_space<vmem>> -> memref<1024x32xf32, #tpu.memory_space<vmem>>
    %dma_start3A_52 = arith.constant 0 : i32
    %dma_start3A_53 = tpu.memref_slice %arg5[%dma_start3A_46, %dma_start3A_52] : memref<2x1024xi32, #tpu.memory_space<vmem>> -> memref<1x1024xi32, #tpu.memory_space<vmem>>
    %dma_start3A_54 = tpu.memref_squeeze %dma_start3A_53 : memref<1x1024xi32, #tpu.memory_space<vmem>> -> memref<1024xi32, #tpu.memory_space<vmem>>
    %dma_start3A_55 = arith.constant 0 : i32
    %dma_start3A_56 = arith.constant 0 : i32
    %dma_start3A_57 = tpu.memref_slice %arg2[%dma_start3A_55, %dma_start3A_56] : memref<8192x32xf32, #tpu.memory_space<hbm>> -> memref<8192x32xf32, #tpu.memory_space<hbm>>
    tpu.enqueue_indirect_dma source(%dma_start3A_57 : memref<8192x32xf32, #tpu.memory_space<hbm>>) target(%dma_start3A_51 : memref<1024x32xf32, #tpu.memory_space<vmem>>) offsets(%dma_start3A_54 : memref<1024xi32, #tpu.memory_space<vmem>>) semaphore(%arg7 : memref<!tpu.dma_semaphore, #tpu.memory_space<semaphore_mem>>)
    %dma_wait3A_58 = arith.constant 1 : i32
    %dma_wait3A_59 = arith.constant 1 : i32
    %dma_wait3A_60 = arith.constant 0 : i32
    %dma_wait3A_61 = arith.constant 0 : i32
    %dma_wait3A_62 = tpu.memref_slice %arg6[%dma_wait3A_59, %dma_wait3A_60, %dma_wait3A_61] : memref<2x1024x32xf32, #tpu.memory_space<vmem>> -> memref<1x1024x32xf32, #tpu.memory_space<vmem>>
    %dma_wait3A_63 = tpu.memref_squeeze %dma_wait3A_62 : memref<1x1024x32xf32, #tpu.memory_space<vmem>> -> memref<1024x32xf32, #tpu.memory_space<vmem>>
    %dma_wait3A_64 = arith.constant 0 : i32
    %dma_wait3A_65 = tpu.memref_slice %arg5[%dma_wait3A_58, %dma_wait3A_64] : memref<2x1024xi32, #tpu.memory_space<vmem>> -> memref<1x1024xi32, #tpu.memory_space<vmem>>
    %dma_wait3A_66 = tpu.memref_squeeze %dma_wait3A_65 : memref<1x1024xi32, #tpu.memory_space<vmem>> -> memref<1024xi32, #tpu.memory_space<vmem>>
    %dma_wait3A_67 = arith.constant 0 : i32
    %dma_wait3A_68 = arith.constant 0 : i32
    %dma_wait3A_69 = tpu.memref_slice %arg2[%dma_wait3A_67, %dma_wait3A_68] : memref<8192x32xf32, #tpu.memory_space<hbm>> -> memref<8192x32xf32, #tpu.memory_space<hbm>>
    tpu.wait_indirect_dma semaphore(%arg8 : memref<!tpu.dma_semaphore, #tpu.memory_space<semaphore_mem>>) src(%dma_wait3A_69 : memref<8192x32xf32, #tpu.memory_space<hbm>>) dst(%dma_wait3A_63 : memref<1024x32xf32, #tpu.memory_space<vmem>>)
    %add3A_70 = arith.constant 1024 : i32
    %add3A_71 = arith.addi %mul3A_2, %add3A_70 : i32
    %run_scoped3A_72 = arith.constant 1 : i32
    "tpu.region"() ({
      %run_scoped3A_118 = tpu.sem_alloc : memref<!tpu.dma_semaphore, #tpu.memory_space<semaphore_mem>>
      %dma_start3A_119 = arith.constant 0 : i32
      %dma_start3A_120 = arith.constant 0 : i32
      %dma_start3A_121 = tpu.memref_slice %arg6[%run_scoped3A_72, %dma_start3A_119, %dma_start3A_120] : memref<2x1024x32xf32, #tpu.memory_space<vmem>> -> memref<1x1024x32xf32, #tpu.memory_space<vmem>>
      %dma_start3A_122 = tpu.memref_squeeze %dma_start3A_121 : memref<1x1024x32xf32, #tpu.memory_space<vmem>> -> memref<1024x32xf32, #tpu.memory_space<vmem>>
      %dma_start3A_123 = arith.constant 0 : i32
      %dma_start3A_124 = tpu.memref_slice %arg4[%add3A_71, %dma_start3A_123] : memref<131072x32xf32, #tpu.memory_space<hbm>> -> memref<1024x32xf32, #tpu.memory_space<hbm>>
      %dma_start3A_125 = arith.constant 0 : i32
      %dma_start3A_126 = tpu.memref_slice %arg4[%add3A_71, %dma_start3A_125] : memref<131072x32xf32, #tpu.memory_space<hbm>> -> memref<1024x32xf32, #tpu.memory_space<hbm>>
      %dma_start3A_127 = arith.constant 0 : i32
      %dma_start3A_128 = arith.constant 0 : i32
      %dma_start3A_129 = tpu.memref_slice %arg6[%run_scoped3A_72, %dma_start3A_127, %dma_start3A_128] : memref<2x1024x32xf32, #tpu.memory_space<vmem>> -> memref<1x1024x32xf32, #tpu.memory_space<vmem>>
      %dma_start3A_130 = tpu.memref_squeeze %dma_start3A_129 : memref<1x1024x32xf32, #tpu.memory_space<vmem>> -> memref<1024x32xf32, #tpu.memory_space<vmem>>
      tpu.enqueue_dma source(%dma_start3A_130 : memref<1024x32xf32, #tpu.memory_space<vmem>>) target(%dma_start3A_126 : memref<1024x32xf32, #tpu.memory_space<hbm>>) target_semaphore(%run_scoped3A_118 : memref<!tpu.dma_semaphore, #tpu.memory_space<semaphore_mem>>)
      %dma_wait3A_131 = arith.constant 0 : i32
      %dma_wait3A_132 = arith.constant 0 : i32
      %dma_wait3A_133 = tpu.memref_slice %arg6[%run_scoped3A_72, %dma_wait3A_131, %dma_wait3A_132] : memref<2x1024x32xf32, #tpu.memory_space<vmem>> -> memref<1x1024x32xf32, #tpu.memory_space<vmem>>
      %dma_wait3A_134 = tpu.memref_squeeze %dma_wait3A_133 : memref<1x1024x32xf32, #tpu.memory_space<vmem>> -> memref<1024x32xf32, #tpu.memory_space<vmem>>
      %dma_wait3A_135 = arith.constant 0 : i32
      %dma_wait3A_136 = tpu.memref_slice %arg4[%add3A_71, %dma_wait3A_135] : memref<131072x32xf32, #tpu.memory_space<hbm>> -> memref<1024x32xf32, #tpu.memory_space<hbm>>
      %dma_wait3A_137 = arith.constant 0 : i32
      %dma_wait3A_138 = tpu.memref_slice %arg4[%add3A_71, %dma_wait3A_137] : memref<131072x32xf32, #tpu.memory_space<hbm>> -> memref<1024x32xf32, #tpu.memory_space<hbm>>
      %dma_wait3A_139 = arith.constant 0 : i32
      %dma_wait3A_140 = arith.constant 0 : i32
      %dma_wait3A_141 = tpu.memref_slice %arg6[%run_scoped3A_72, %dma_wait3A_139, %dma_wait3A_140] : memref<2x1024x32xf32, #tpu.memory_space<vmem>> -> memref<1x1024x32xf32, #tpu.memory_space<vmem>>
      %dma_wait3A_142 = tpu.memref_squeeze %dma_wait3A_141 : memref<1x1024x32xf32, #tpu.memory_space<vmem>> -> memref<1024x32xf32, #tpu.memory_space<vmem>>
      tpu.wait_dma2 semaphore(%run_scoped3A_118 : memref<!tpu.dma_semaphore, #tpu.memory_space<semaphore_mem>>) src(%dma_wait3A_142 : memref<1024x32xf32, #tpu.memory_space<vmem>>) dst(%dma_wait3A_138 : memref<1024x32xf32, #tpu.memory_space<hbm>>)
      tpu.yield
    }) : () -> ()
    %add3A_73 = arith.constant 3072 : i32
    %add3A_74 = arith.addi %mul3A_2, %add3A_73 : i32
    %run_scoped3A_75 = arith.constant 1 : i32
    "tpu.region"() ({
      %run_scoped3A_118 = tpu.sem_alloc : memref<!tpu.dma_semaphore, #tpu.memory_space<semaphore_mem>>
      %dma_start3A_119 = arith.constant 0 : i32
      %dma_start3A_120 = tpu.memref_slice %arg5[%run_scoped3A_75, %dma_start3A_119] : memref<2x1024xi32, #tpu.memory_space<vmem>> -> memref<1x1024xi32, #tpu.memory_space<vmem>>
      %dma_start3A_121 = tpu.memref_squeeze %dma_start3A_120 : memref<1x1024xi32, #tpu.memory_space<vmem>> -> memref<1024xi32, #tpu.memory_space<vmem>>
      %dma_start3A_122 = tpu.memref_slice %arg3[%add3A_74] : memref<131072xi32, #tpu.memory_space<hbm>> -> memref<1024xi32, #tpu.memory_space<hbm>>
      %dma_start3A_123 = arith.constant 0 : i32
      %dma_start3A_124 = tpu.memref_slice %arg5[%run_scoped3A_75, %dma_start3A_123] : memref<2x1024xi32, #tpu.memory_space<vmem>> -> memref<1x1024xi32, #tpu.memory_space<vmem>>
      %dma_start3A_125 = tpu.memref_squeeze %dma_start3A_124 : memref<1x1024xi32, #tpu.memory_space<vmem>> -> memref<1024xi32, #tpu.memory_space<vmem>>
      %dma_start3A_126 = tpu.memref_slice %arg3[%add3A_74] : memref<131072xi32, #tpu.memory_space<hbm>> -> memref<1024xi32, #tpu.memory_space<hbm>>
      tpu.enqueue_dma source(%dma_start3A_126 : memref<1024xi32, #tpu.memory_space<hbm>>) target(%dma_start3A_125 : memref<1024xi32, #tpu.memory_space<vmem>>) target_semaphore(%run_scoped3A_118 : memref<!tpu.dma_semaphore, #tpu.memory_space<semaphore_mem>>)
      %dma_wait3A_127 = arith.constant 0 : i32
      %dma_wait3A_128 = tpu.memref_slice %arg5[%run_scoped3A_75, %dma_wait3A_127] : memref<2x1024xi32, #tpu.memory_space<vmem>> -> memref<1x1024xi32, #tpu.memory_space<vmem>>
      %dma_wait3A_129 = tpu.memref_squeeze %dma_wait3A_128 : memref<1x1024xi32, #tpu.memory_space<vmem>> -> memref<1024xi32, #tpu.memory_space<vmem>>
      %dma_wait3A_130 = tpu.memref_slice %arg3[%add3A_74] : memref<131072xi32, #tpu.memory_space<hbm>> -> memref<1024xi32, #tpu.memory_space<hbm>>
      %dma_wait3A_131 = arith.constant 0 : i32
      %dma_wait3A_132 = tpu.memref_slice %arg5[%run_scoped3A_75, %dma_wait3A_131] : memref<2x1024xi32, #tpu.memory_space<vmem>> -> memref<1x1024xi32, #tpu.memory_space<vmem>>
      %dma_wait3A_133 = tpu.memref_squeeze %dma_wait3A_132 : memref<1x1024xi32, #tpu.memory_space<vmem>> -> memref<1024xi32, #tpu.memory_space<vmem>>
      %dma_wait3A_134 = tpu.memref_slice %arg3[%add3A_74] : memref<131072xi32, #tpu.memory_space<hbm>> -> memref<1024xi32, #tpu.memory_space<hbm>>
      tpu.wait_dma2 semaphore(%run_scoped3A_118 : memref<!tpu.dma_semaphore, #tpu.memory_space<semaphore_mem>>) src(%dma_wait3A_134 : memref<1024xi32, #tpu.memory_space<hbm>>) dst(%dma_wait3A_133 : memref<1024xi32, #tpu.memory_space<vmem>>)
      tpu.yield
    }) : () -> ()
    %dma_start3A_76 = arith.constant 1 : i32
    %dma_start3A_77 = arith.constant 1 : i32
    %dma_start3A_78 = arith.constant 0 : i32
    %dma_start3A_79 = arith.constant 0 : i32
    %dma_start3A_80 = tpu.memref_slice %arg6[%dma_start3A_77, %dma_start3A_78, %dma_start3A_79] : memref<2x1024x32xf32, #tpu.memory_space<vmem>> -> memref<1x1024x32xf32, #tpu.memory_space<vmem>>
    %dma_start3A_81 = tpu.memref_squeeze %dma_start3A_80 : memref<1x1024x32xf32, #tpu.memory_space<vmem>> -> memref<1024x32xf32, #tpu.memory_space<vmem>>
    %dma_start3A_82 = arith.constant 0 : i32
    %dma_start3A_83 = tpu.memref_slice %arg5[%dma_start3A_76, %dma_start3A_82] : memref<2x1024xi32, #tpu.memory_space<vmem>> -> memref<1x1024xi32, #tpu.memory_space<vmem>>
    %dma_start3A_84 = tpu.memref_squeeze %dma_start3A_83 : memref<1x1024xi32, #tpu.memory_space<vmem>> -> memref<1024xi32, #tpu.memory_space<vmem>>
    %dma_start3A_85 = arith.constant 0 : i32
    %dma_start3A_86 = arith.constant 0 : i32
    %dma_start3A_87 = tpu.memref_slice %arg2[%dma_start3A_85, %dma_start3A_86] : memref<8192x32xf32, #tpu.memory_space<hbm>> -> memref<8192x32xf32, #tpu.memory_space<hbm>>
    tpu.enqueue_indirect_dma source(%dma_start3A_87 : memref<8192x32xf32, #tpu.memory_space<hbm>>) target(%dma_start3A_81 : memref<1024x32xf32, #tpu.memory_space<vmem>>) offsets(%dma_start3A_84 : memref<1024xi32, #tpu.memory_space<vmem>>) semaphore(%arg8 : memref<!tpu.dma_semaphore, #tpu.memory_space<semaphore_mem>>)
    %dma_wait3A_88 = arith.constant 0 : i32
    %dma_wait3A_89 = arith.constant 0 : i32
    %dma_wait3A_90 = arith.constant 0 : i32
    %dma_wait3A_91 = arith.constant 0 : i32
    %dma_wait3A_92 = tpu.memref_slice %arg6[%dma_wait3A_89, %dma_wait3A_90, %dma_wait3A_91] : memref<2x1024x32xf32, #tpu.memory_space<vmem>> -> memref<1x1024x32xf32, #tpu.memory_space<vmem>>
    %dma_wait3A_93 = tpu.memref_squeeze %dma_wait3A_92 : memref<1x1024x32xf32, #tpu.memory_space<vmem>> -> memref<1024x32xf32, #tpu.memory_space<vmem>>
    %dma_wait3A_94 = arith.constant 0 : i32
    %dma_wait3A_95 = tpu.memref_slice %arg5[%dma_wait3A_88, %dma_wait3A_94] : memref<2x1024xi32, #tpu.memory_space<vmem>> -> memref<1x1024xi32, #tpu.memory_space<vmem>>
    %dma_wait3A_96 = tpu.memref_squeeze %dma_wait3A_95 : memref<1x1024xi32, #tpu.memory_space<vmem>> -> memref<1024xi32, #tpu.memory_space<vmem>>
    %dma_wait3A_97 = arith.constant 0 : i32
    %dma_wait3A_98 = arith.constant 0 : i32
    %dma_wait3A_99 = tpu.memref_slice %arg2[%dma_wait3A_97, %dma_wait3A_98] : memref<8192x32xf32, #tpu.memory_space<hbm>> -> memref<8192x32xf32, #tpu.memory_space<hbm>>
    tpu.wait_indirect_dma semaphore(%arg7 : memref<!tpu.dma_semaphore, #tpu.memory_space<semaphore_mem>>) src(%dma_wait3A_99 : memref<8192x32xf32, #tpu.memory_space<hbm>>) dst(%dma_wait3A_93 : memref<1024x32xf32, #tpu.memory_space<vmem>>)
    %add3A_100 = arith.constant 2048 : i32
    %add3A_101 = arith.addi %mul3A_2, %add3A_100 : i32
    %run_scoped3A_102 = arith.constant 0 : i32
    "tpu.region"() ({
      %run_scoped3A_118 = tpu.sem_alloc : memref<!tpu.dma_semaphore, #tpu.memory_space<semaphore_mem>>
      %dma_start3A_119 = arith.constant 0 : i32
      %dma_start3A_120 = arith.constant 0 : i32
      %dma_start3A_121 = tpu.memref_slice %arg6[%run_scoped3A_102, %dma_start3A_119, %dma_start3A_120] : memref<2x1024x32xf32, #tpu.memory_space<vmem>> -> memref<1x1024x32xf32, #tpu.memory_space<vmem>>
      %dma_start3A_122 = tpu.memref_squeeze %dma_start3A_121 : memref<1x1024x32xf32, #tpu.memory_space<vmem>> -> memref<1024x32xf32, #tpu.memory_space<vmem>>
      %dma_start3A_123 = arith.constant 0 : i32
      %dma_start3A_124 = tpu.memref_slice %arg4[%add3A_101, %dma_start3A_123] : memref<131072x32xf32, #tpu.memory_space<hbm>> -> memref<1024x32xf32, #tpu.memory_space<hbm>>
      %dma_start3A_125 = arith.constant 0 : i32
      %dma_start3A_126 = tpu.memref_slice %arg4[%add3A_101, %dma_start3A_125] : memref<131072x32xf32, #tpu.memory_space<hbm>> -> memref<1024x32xf32, #tpu.memory_space<hbm>>
      %dma_start3A_127 = arith.constant 0 : i32
      %dma_start3A_128 = arith.constant 0 : i32
      %dma_start3A_129 = tpu.memref_slice %arg6[%run_scoped3A_102, %dma_start3A_127, %dma_start3A_128] : memref<2x1024x32xf32, #tpu.memory_space<vmem>> -> memref<1x1024x32xf32, #tpu.memory_space<vmem>>
      %dma_start3A_130 = tpu.memref_squeeze %dma_start3A_129 : memref<1x1024x32xf32, #tpu.memory_space<vmem>> -> memref<1024x32xf32, #tpu.memory_space<vmem>>
      tpu.enqueue_dma source(%dma_start3A_130 : memref<1024x32xf32, #tpu.memory_space<vmem>>) target(%dma_start3A_126 : memref<1024x32xf32, #tpu.memory_space<hbm>>) target_semaphore(%run_scoped3A_118 : memref<!tpu.dma_semaphore, #tpu.memory_space<semaphore_mem>>)
      %dma_wait3A_131 = arith.constant 0 : i32
      %dma_wait3A_132 = arith.constant 0 : i32
      %dma_wait3A_133 = tpu.memref_slice %arg6[%run_scoped3A_102, %dma_wait3A_131, %dma_wait3A_132] : memref<2x1024x32xf32, #tpu.memory_space<vmem>> -> memref<1x1024x32xf32, #tpu.memory_space<vmem>>
      %dma_wait3A_134 = tpu.memref_squeeze %dma_wait3A_133 : memref<1x1024x32xf32, #tpu.memory_space<vmem>> -> memref<1024x32xf32, #tpu.memory_space<vmem>>
      %dma_wait3A_135 = arith.constant 0 : i32
      %dma_wait3A_136 = tpu.memref_slice %arg4[%add3A_101, %dma_wait3A_135] : memref<131072x32xf32, #tpu.memory_space<hbm>> -> memref<1024x32xf32, #tpu.memory_space<hbm>>
      %dma_wait3A_137 = arith.constant 0 : i32
      %dma_wait3A_138 = tpu.memref_slice %arg4[%add3A_101, %dma_wait3A_137] : memref<131072x32xf32, #tpu.memory_space<hbm>> -> memref<1024x32xf32, #tpu.memory_space<hbm>>
      %dma_wait3A_139 = arith.constant 0 : i32
      %dma_wait3A_140 = arith.constant 0 : i32
      %dma_wait3A_141 = tpu.memref_slice %arg6[%run_scoped3A_102, %dma_wait3A_139, %dma_wait3A_140] : memref<2x1024x32xf32, #tpu.memory_space<vmem>> -> memref<1x1024x32xf32, #tpu.memory_space<vmem>>
      %dma_wait3A_142 = tpu.memref_squeeze %dma_wait3A_141 : memref<1x1024x32xf32, #tpu.memory_space<vmem>> -> memref<1024x32xf32, #tpu.memory_space<vmem>>
      tpu.wait_dma2 semaphore(%run_scoped3A_118 : memref<!tpu.dma_semaphore, #tpu.memory_space<semaphore_mem>>) src(%dma_wait3A_142 : memref<1024x32xf32, #tpu.memory_space<vmem>>) dst(%dma_wait3A_138 : memref<1024x32xf32, #tpu.memory_space<hbm>>)
      tpu.yield
    }) : () -> ()
    %dma_wait3A_103 = arith.constant 1 : i32
    %dma_wait3A_104 = arith.constant 1 : i32
    %dma_wait3A_105 = arith.constant 0 : i32
    %dma_wait3A_106 = arith.constant 0 : i32
    %dma_wait3A_107 = tpu.memref_slice %arg6[%dma_wait3A_104, %dma_wait3A_105, %dma_wait3A_106] : memref<2x1024x32xf32, #tpu.memory_space<vmem>> -> memref<1x1024x32xf32, #tpu.memory_space<vmem>>
    %dma_wait3A_108 = tpu.memref_squeeze %dma_wait3A_107 : memref<1x1024x32xf32, #tpu.memory_space<vmem>> -> memref<1024x32xf32, #tpu.memory_space<vmem>>
    %dma_wait3A_109 = arith.constant 0 : i32
    %dma_wait3A_110 = tpu.memref_slice %arg5[%dma_wait3A_103, %dma_wait3A_109] : memref<2x1024xi32, #tpu.memory_space<vmem>> -> memref<1x1024xi32, #tpu.memory_space<vmem>>
    %dma_wait3A_111 = tpu.memref_squeeze %dma_wait3A_110 : memref<1x1024xi32, #tpu.memory_space<vmem>> -> memref<1024xi32, #tpu.memory_space<vmem>>
    %dma_wait3A_112 = arith.constant 0 : i32
    %dma_wait3A_113 = arith.constant 0 : i32
    %dma_wait3A_114 = tpu.memref_slice %arg2[%dma_wait3A_112, %dma_wait3A_113] : memref<8192x32xf32, #tpu.memory_space<hbm>> -> memref<8192x32xf32, #tpu.memory_space<hbm>>
    tpu.wait_indirect_dma semaphore(%arg8 : memref<!tpu.dma_semaphore, #tpu.memory_space<semaphore_mem>>) src(%dma_wait3A_114 : memref<8192x32xf32, #tpu.memory_space<hbm>>) dst(%dma_wait3A_108 : memref<1024x32xf32, #tpu.memory_space<vmem>>)
    %add3A_115 = arith.constant 3072 : i32
    %add3A_116 = arith.addi %mul3A_2, %add3A_115 : i32
    %run_scoped3A_117 = arith.constant 1 : i32
    "tpu.region"() ({
      %run_scoped3A_118 = tpu.sem_alloc : memref<!tpu.dma_semaphore, #tpu.memory_space<semaphore_mem>>
      %dma_start3A_119 = arith.constant 0 : i32
      %dma_start3A_120 = arith.constant 0 : i32
      %dma_start3A_121 = tpu.memref_slice %arg6[%run_scoped3A_117, %dma_start3A_119, %dma_start3A_120] : memref<2x1024x32xf32, #tpu.memory_space<vmem>> -> memref<1x1024x32xf32, #tpu.memory_space<vmem>>
      %dma_start3A_122 = tpu.memref_squeeze %dma_start3A_121 : memref<1x1024x32xf32, #tpu.memory_space<vmem>> -> memref<1024x32xf32, #tpu.memory_space<vmem>>
      %dma_start3A_123 = arith.constant 0 : i32
      %dma_start3A_124 = tpu.memref_slice %arg4[%add3A_116, %dma_start3A_123] : memref<131072x32xf32, #tpu.memory_space<hbm>> -> memref<1024x32xf32, #tpu.memory_space<hbm>>
      %dma_start3A_125 = arith.constant 0 : i32
      %dma_start3A_126 = tpu.memref_slice %arg4[%add3A_116, %dma_start3A_125] : memref<131072x32xf32, #tpu.memory_space<hbm>> -> memref<1024x32xf32, #tpu.memory_space<hbm>>
      %dma_start3A_127 = arith.constant 0 : i32
      %dma_start3A_128 = arith.constant 0 : i32
      %dma_start3A_129 = tpu.memref_slice %arg6[%run_scoped3A_117, %dma_start3A_127, %dma_start3A_128] : memref<2x1024x32xf32, #tpu.memory_space<vmem>> -> memref<1x1024x32xf32, #tpu.memory_space<vmem>>
      %dma_start3A_130 = tpu.memref_squeeze %dma_start3A_129 : memref<1x1024x32xf32, #tpu.memory_space<vmem>> -> memref<1024x32xf32, #tpu.memory_space<vmem>>
      tpu.enqueue_dma source(%dma_start3A_130 : memref<1024x32xf32, #tpu.memory_space<vmem>>) target(%dma_start3A_126 : memref<1024x32xf32, #tpu.memory_space<hbm>>) target_semaphore(%run_scoped3A_118 : memref<!tpu.dma_semaphore, #tpu.memory_space<semaphore_mem>>)
      %dma_wait3A_131 = arith.constant 0 : i32
      %dma_wait3A_132 = arith.constant 0 : i32
      %dma_wait3A_133 = tpu.memref_slice %arg6[%run_scoped3A_117, %dma_wait3A_131, %dma_wait3A_132] : memref<2x1024x32xf32, #tpu.memory_space<vmem>> -> memref<1x1024x32xf32, #tpu.memory_space<vmem>>
      %dma_wait3A_134 = tpu.memref_squeeze %dma_wait3A_133 : memref<1x1024x32xf32, #tpu.memory_space<vmem>> -> memref<1024x32xf32, #tpu.memory_space<vmem>>
      %dma_wait3A_135 = arith.constant 0 : i32
      %dma_wait3A_136 = tpu.memref_slice %arg4[%add3A_116, %dma_wait3A_135] : memref<131072x32xf32, #tpu.memory_space<hbm>> -> memref<1024x32xf32, #tpu.memory_space<hbm>>
      %dma_wait3A_137 = arith.constant 0 : i32
      %dma_wait3A_138 = tpu.memref_slice %arg4[%add3A_116, %dma_wait3A_137] : memref<131072x32xf32, #tpu.memory_space<hbm>> -> memref<1024x32xf32, #tpu.memory_space<hbm>>
      %dma_wait3A_139 = arith.constant 0 : i32
      %dma_wait3A_140 = arith.constant 0 : i32
      %dma_wait3A_141 = tpu.memref_slice %arg6[%run_scoped3A_117, %dma_wait3A_139, %dma_wait3A_140] : memref<2x1024x32xf32, #tpu.memory_space<vmem>> -> memref<1x1024x32xf32, #tpu.memory_space<vmem>>
      %dma_wait3A_142 = tpu.memref_squeeze %dma_wait3A_141 : memref<1x1024x32xf32, #tpu.memory_space<vmem>> -> memref<1024x32xf32, #tpu.memory_space<vmem>>
      tpu.wait_dma2 semaphore(%run_scoped3A_118 : memref<!tpu.dma_semaphore, #tpu.memory_space<semaphore_mem>>) src(%dma_wait3A_142 : memref<1024x32xf32, #tpu.memory_space<vmem>>) dst(%dma_wait3A_138 : memref<1024x32xf32, #tpu.memory_space<hbm>>)
      tpu.yield
    }) : () -> ()
    return
  }
}

module attributes {stable_mosaic.version = 14 : i64} {
  func.func @_pq_body(%arg0: i32, %arg1: memref<2048x256xf32, #tpu.memory_space<vmem>>, %arg2: memref<8x1024x32xf32, #tpu.memory_space<vmem>>, %arg3: memref<8x1024xf32, #tpu.memory_space<vmem>>, %arg4: memref<2048x8xi32, #tpu.memory_space<vmem>>, %arg5: memref<1x1xf32, #tpu.memory_space<vmem>>) attributes {dimension_semantics = [#tpu.dimension_semantics<arbitrary>], iteration_bounds = array<i64: 8>, scalar_prefetch = 0 : i64, scratch_operands = 0 : i64, tpu.core_type = #tpu.core_type<tc>, window_params = [{transform_indices = @transform_0, window_bounds = array<i64: 2048, 256>}, {pipeline_mode = #tpu.pipeline_mode<synchronous>, transform_indices = @transform_1, window_bounds = array<i64: 8, 1024, 32>}, {pipeline_mode = #tpu.pipeline_mode<synchronous>, transform_indices = @transform_2, window_bounds = array<i64: 8, 1024>}, {transform_indices = @transform_3, window_bounds = array<i64: 2048, 8>}, {pipeline_mode = #tpu.pipeline_mode<synchronous>, transform_indices = @transform_4, window_bounds = array<i64: 1, 1>}]} {
    %eq3A = arith.constant 0 : i32
    %eq3A_0 = arith.cmpi eq, %arg0, %eq3A : i32
    %convert_element_type3A = arith.extui %eq3A_0 : i1 to i32
    %cond3A = arith.constant 0 : i32
    %cond3A_1 = arith.cmpi ne, %convert_element_type3A, %cond3A : i32
    scf.if %cond3A_1 {
      %broadcast_in_dim3A_361 = arith.constant 0.000000e+00 : f32
      %broadcast_in_dim3A_362 = vector.broadcast %broadcast_in_dim3A_361 : f32 to vector<1x1xf32>
      %swap3A_363 = arith.constant 0 : index
      %swap3A_364 = arith.constant 0 : index
      %swap3A_365 = vector.load %arg5[%swap3A_363, %swap3A_364] : memref<1x1xf32, #tpu.memory_space<vmem>>, vector<1x1xf32>
      tpu.vector_store %arg5[%swap3A_363, %swap3A_364], %broadcast_in_dim3A_362 {strides = array<i32>} : memref<1x1xf32, #tpu.memory_space<vmem>>, vector<1x1xf32>,
    } else {
    }
    %broadcast_in_dim3A = arith.constant 0.000000e+00 : f32
    %broadcast_in_dim3A_2 = vector.broadcast %broadcast_in_dim3A : f32 to vector<1x1xf32>
    %iota3A = tpu.iota {dimensions = array<i32: 1>} : vector<2048x1024xi32>
    %convert_element_type3A_3 = arith.sitofp %iota3A : vector<2048x1024xi32> to vector<2048x1024xf32>
    %get3A = arith.constant 0 : index
    %get3A_4 = arith.constant 0 : index
    %get3A_5 = vector.load %arg1[%get3A, %get3A_4] : memref<2048x256xf32, #tpu.memory_space<vmem>>, vector<2048x32xf32>
    %mul3A = arith.mulf %get3A_5, %get3A_5 : vector<2048x32xf32>
    %reduce_sum3A = arith.constant dense<0.000000e+00> : vector<2048xf32>
    %reduce_sum3A_6 = vector.multi_reduction <add>, %mul3A, %reduce_sum3A [1] : vector<2048x32xf32> to vector<2048xf32>
    %broadcast_in_dim3A_7 = vector.shape_cast %reduce_sum3A_6 : vector<2048xf32> to vector<2048x1xf32>
    %get3A_8 = arith.constant 0 : index
    %get3A_9 = arith.constant 0 : index
    %get3A_10 = arith.constant 0 : index
    %get3A_11 = vector.load %arg2[%get3A_8, %get3A_9, %get3A_10] : memref<8x1024x32xf32, #tpu.memory_space<vmem>>, vector<1x1024x32xf32>
    %get3A_12 = vector.shape_cast %get3A_11 : vector<1x1024x32xf32> to vector<1024x32xf32>
    %dot_general3A = arith.constant dense<0.000000e+00> : vector<2048x1024xf32>
    %dot_general3A_13 = tpu.matmul %get3A_5, %get3A_12, %dot_general3A {dimension_numbers = #tpu.dot_dimension_numbers<[1], [1], [0], [0], [0, 0, 1, 0], [], []>, transpose_lhs_hint = false} : vector<2048x32xf32>, vector<1024x32xf32>, vector<2048x1024xf32> -> vector<2048x1024xf32>
    %get3A_14 = arith.constant 0 : index
    %get3A_15 = arith.constant 0 : index
    %get3A_16 = vector.load %arg3[%get3A_14, %get3A_15] : memref<8x1024xf32, #tpu.memory_space<vmem>>, vector<1x1024xf32>
    %get3A_17 = vector.shape_cast %get3A_16 : vector<1x1024xf32> to vector<1024xf32>
    %broadcast_in_dim3A_18 = vector.shape_cast %get3A_17 : vector<1024xf32> to vector<1x1024xf32>
    %add3A = vector.broadcast %broadcast_in_dim3A_7 : vector<2048x1xf32> to vector<2048x1024xf32>
    %add3A_19 = vector.broadcast %broadcast_in_dim3A_18 : vector<1x1024xf32> to vector<2048x1024xf32>
    %add3A_20 = arith.addf %add3A, %add3A_19 : vector<2048x1024xf32>
    %sub3A = arith.subf %add3A_20, %dot_general3A_13 : vector<2048x1024xf32>
    %reduce_min3A = arith.constant dense<0x7F800000> : vector<2048xf32>
    %reduce_min3A_21 = vector.multi_reduction <minimumf>, %sub3A, %reduce_min3A [1] : vector<2048x1024xf32> to vector<2048xf32>
    %broadcast_in_dim3A_22 = vector.shape_cast %reduce_min3A_21 : vector<2048xf32> to vector<2048x1xf32>
    %eq3A_23 = vector.broadcast %broadcast_in_dim3A_22 : vector<2048x1xf32> to vector<2048x1024xf32>
    %eq3A_24 = arith.cmpf oeq, %sub3A, %eq3A_23 : vector<2048x1024xf32>
    %jit3A = arith.constant 1.024000e+03 : f32
    %broadcast_in_dim3A_25 = vector.broadcast %jit3A : f32 to vector<2048x1024xf32>
    %select_n3A = arith.select %eq3A_24, %convert_element_type3A_3, %broadcast_in_dim3A_25 : vector<2048x1024xi1>, vector<2048x1024xf32>
    %reduce_min3A_26 = arith.constant dense<0x7F800000> : vector<2048xf32>
    %reduce_min3A_27 = vector.multi_reduction <minimumf>, %select_n3A, %reduce_min3A_26 [1] : vector<2048x1024xf32> to vector<2048xf32>
    %broadcast_in_dim3A_28 = vector.shape_cast %reduce_min3A_27 : vector<2048xf32> to vector<2048x1xf32>
    %convert_element_type3A_29 = arith.fptosi %broadcast_in_dim3A_28 : vector<2048x1xf32> to vector<2048x1xi32>
    %add3A_30 = arith.constant 0 : i32
    %add3A_31 = vector.broadcast %add3A_30 : i32 to vector<2048x1xi32>
    %add3A_32 = arith.addi %convert_element_type3A_29, %add3A_31 : vector<2048x1xi32>
    %swap3A = arith.constant 0 : index
    %swap3A_33 = arith.constant 0 : index
    %swap3A_34 = vector.load %arg4[%swap3A, %swap3A_33] : memref<2048x8xi32, #tpu.memory_space<vmem>>, vector<2048x1xi32>
    tpu.vector_store %arg4[%swap3A, %swap3A_33], %add3A_32 {strides = array<i32>} : memref<2048x8xi32, #tpu.memory_space<vmem>>, vector<2048x1xi32>,
    %reduce_sum3A_35 = arith.constant dense<0.000000e+00> : vector<1xf32>
    %reduce_sum3A_36 = vector.multi_reduction <add>, %broadcast_in_dim3A_22, %reduce_sum3A_35 [0] : vector<2048x1xf32> to vector<1xf32>
    %broadcast_in_dim3A_37 = vector.shape_cast %reduce_sum3A_36 : vector<1xf32> to vector<1x1xf32>
    %add3A_38 = arith.addf %broadcast_in_dim3A_2, %broadcast_in_dim3A_37 : vector<1x1xf32>
    %get3A_39 = arith.constant 0 : index
    %get3A_40 = arith.constant 32 : index
    %get3A_41 = vector.load %arg1[%get3A_39, %get3A_40] : memref<2048x256xf32, #tpu.memory_space<vmem>>, vector<2048x32xf32>
    %mul3A_42 = arith.mulf %get3A_41, %get3A_41 : vector<2048x32xf32>
    %reduce_sum3A_43 = arith.constant dense<0.000000e+00> : vector<2048xf32>
    %reduce_sum3A_44 = vector.multi_reduction <add>, %mul3A_42, %reduce_sum3A_43 [1] : vector<2048x32xf32> to vector<2048xf32>
    %broadcast_in_dim3A_45 = vector.shape_cast %reduce_sum3A_44 : vector<2048xf32> to vector<2048x1xf32>
    %get3A_46 = arith.constant 1 : index
    %get3A_47 = arith.constant 0 : index
    %get3A_48 = arith.constant 0 : index
    %get3A_49 = vector.load %arg2[%get3A_46, %get3A_47, %get3A_48] : memref<8x1024x32xf32, #tpu.memory_space<vmem>>, vector<1x1024x32xf32>
    %get3A_50 = vector.shape_cast %get3A_49 : vector<1x1024x32xf32> to vector<1024x32xf32>
    %dot_general3A_51 = arith.constant dense<0.000000e+00> : vector<2048x1024xf32>
    %dot_general3A_52 = tpu.matmul %get3A_41, %get3A_50, %dot_general3A_51 {dimension_numbers = #tpu.dot_dimension_numbers<[1], [1], [0], [0], [0, 0, 1, 0], [], []>, transpose_lhs_hint = false} : vector<2048x32xf32>, vector<1024x32xf32>, vector<2048x1024xf32> -> vector<2048x1024xf32>
    %get3A_53 = arith.constant 1 : index
    %get3A_54 = arith.constant 0 : index
    %get3A_55 = vector.load %arg3[%get3A_53, %get3A_54] : memref<8x1024xf32, #tpu.memory_space<vmem>>, vector<1x1024xf32>
    %get3A_56 = vector.shape_cast %get3A_55 : vector<1x1024xf32> to vector<1024xf32>
    %broadcast_in_dim3A_57 = vector.shape_cast %get3A_56 : vector<1024xf32> to vector<1x1024xf32>
    %add3A_58 = vector.broadcast %broadcast_in_dim3A_45 : vector<2048x1xf32> to vector<2048x1024xf32>
    %add3A_59 = vector.broadcast %broadcast_in_dim3A_57 : vector<1x1024xf32> to vector<2048x1024xf32>
    %add3A_60 = arith.addf %add3A_58, %add3A_59 : vector<2048x1024xf32>
    %sub3A_61 = arith.subf %add3A_60, %dot_general3A_52 : vector<2048x1024xf32>
    %reduce_min3A_62 = arith.constant dense<0x7F800000> : vector<2048xf32>
    %reduce_min3A_63 = vector.multi_reduction <minimumf>, %sub3A_61, %reduce_min3A_62 [1] : vector<2048x1024xf32> to vector<2048xf32>
    %broadcast_in_dim3A_64 = vector.shape_cast %reduce_min3A_63 : vector<2048xf32> to vector<2048x1xf32>
    %eq3A_65 = vector.broadcast %broadcast_in_dim3A_64 : vector<2048x1xf32> to vector<2048x1024xf32>
    %eq3A_66 = arith.cmpf oeq, %sub3A_61, %eq3A_65 : vector<2048x1024xf32>
    %jit3A_67 = arith.constant 1.024000e+03 : f32
    %broadcast_in_dim3A_68 = vector.broadcast %jit3A_67 : f32 to vector<2048x1024xf32>
    %select_n3A_69 = arith.select %eq3A_66, %convert_element_type3A_3, %broadcast_in_dim3A_68 : vector<2048x1024xi1>, vector<2048x1024xf32>
    %reduce_min3A_70 = arith.constant dense<0x7F800000> : vector<2048xf32>
    %reduce_min3A_71 = vector.multi_reduction <minimumf>, %select_n3A_69, %reduce_min3A_70 [1] : vector<2048x1024xf32> to vector<2048xf32>
    %broadcast_in_dim3A_72 = vector.shape_cast %reduce_min3A_71 : vector<2048xf32> to vector<2048x1xf32>
    %convert_element_type3A_73 = arith.fptosi %broadcast_in_dim3A_72 : vector<2048x1xf32> to vector<2048x1xi32>
    %add3A_74 = arith.constant 1024 : i32
    %add3A_75 = vector.broadcast %add3A_74 : i32 to vector<2048x1xi32>
    %add3A_76 = arith.addi %convert_element_type3A_73, %add3A_75 : vector<2048x1xi32>
    %swap3A_77 = arith.constant 0 : index
    %swap3A_78 = arith.constant 1 : index
    %swap3A_79 = vector.load %arg4[%swap3A_77, %swap3A_78] : memref<2048x8xi32, #tpu.memory_space<vmem>>, vector<2048x1xi32>
    tpu.vector_store %arg4[%swap3A_77, %swap3A_78], %add3A_76 {strides = array<i32>} : memref<2048x8xi32, #tpu.memory_space<vmem>>, vector<2048x1xi32>,
    %reduce_sum3A_80 = arith.constant dense<0.000000e+00> : vector<1xf32>
    %reduce_sum3A_81 = vector.multi_reduction <add>, %broadcast_in_dim3A_64, %reduce_sum3A_80 [0] : vector<2048x1xf32> to vector<1xf32>
    %broadcast_in_dim3A_82 = vector.shape_cast %reduce_sum3A_81 : vector<1xf32> to vector<1x1xf32>
    %add3A_83 = arith.addf %add3A_38, %broadcast_in_dim3A_82 : vector<1x1xf32>
    %get3A_84 = arith.constant 0 : index
    %get3A_85 = arith.constant 64 : index
    %get3A_86 = vector.load %arg1[%get3A_84, %get3A_85] : memref<2048x256xf32, #tpu.memory_space<vmem>>, vector<2048x32xf32>
    %mul3A_87 = arith.mulf %get3A_86, %get3A_86 : vector<2048x32xf32>
    %reduce_sum3A_88 = arith.constant dense<0.000000e+00> : vector<2048xf32>
    %reduce_sum3A_89 = vector.multi_reduction <add>, %mul3A_87, %reduce_sum3A_88 [1] : vector<2048x32xf32> to vector<2048xf32>
    %broadcast_in_dim3A_90 = vector.shape_cast %reduce_sum3A_89 : vector<2048xf32> to vector<2048x1xf32>
    %get3A_91 = arith.constant 2 : index
    %get3A_92 = arith.constant 0 : index
    %get3A_93 = arith.constant 0 : index
    %get3A_94 = vector.load %arg2[%get3A_91, %get3A_92, %get3A_93] : memref<8x1024x32xf32, #tpu.memory_space<vmem>>, vector<1x1024x32xf32>
    %get3A_95 = vector.shape_cast %get3A_94 : vector<1x1024x32xf32> to vector<1024x32xf32>
    %dot_general3A_96 = arith.constant dense<0.000000e+00> : vector<2048x1024xf32>
    %dot_general3A_97 = tpu.matmul %get3A_86, %get3A_95, %dot_general3A_96 {dimension_numbers = #tpu.dot_dimension_numbers<[1], [1], [0], [0], [0, 0, 1, 0], [], []>, transpose_lhs_hint = false} : vector<2048x32xf32>, vector<1024x32xf32>, vector<2048x1024xf32> -> vector<2048x1024xf32>
    %get3A_98 = arith.constant 2 : index
    %get3A_99 = arith.constant 0 : index
    %get3A_100 = vector.load %arg3[%get3A_98, %get3A_99] : memref<8x1024xf32, #tpu.memory_space<vmem>>, vector<1x1024xf32>
    %get3A_101 = vector.shape_cast %get3A_100 : vector<1x1024xf32> to vector<1024xf32>
    %broadcast_in_dim3A_102 = vector.shape_cast %get3A_101 : vector<1024xf32> to vector<1x1024xf32>
    %add3A_103 = vector.broadcast %broadcast_in_dim3A_90 : vector<2048x1xf32> to vector<2048x1024xf32>
    %add3A_104 = vector.broadcast %broadcast_in_dim3A_102 : vector<1x1024xf32> to vector<2048x1024xf32>
    %add3A_105 = arith.addf %add3A_103, %add3A_104 : vector<2048x1024xf32>
    %sub3A_106 = arith.subf %add3A_105, %dot_general3A_97 : vector<2048x1024xf32>
    %reduce_min3A_107 = arith.constant dense<0x7F800000> : vector<2048xf32>
    %reduce_min3A_108 = vector.multi_reduction <minimumf>, %sub3A_106, %reduce_min3A_107 [1] : vector<2048x1024xf32> to vector<2048xf32>
    %broadcast_in_dim3A_109 = vector.shape_cast %reduce_min3A_108 : vector<2048xf32> to vector<2048x1xf32>
    %eq3A_110 = vector.broadcast %broadcast_in_dim3A_109 : vector<2048x1xf32> to vector<2048x1024xf32>
    %eq3A_111 = arith.cmpf oeq, %sub3A_106, %eq3A_110 : vector<2048x1024xf32>
    %jit3A_112 = arith.constant 1.024000e+03 : f32
    %broadcast_in_dim3A_113 = vector.broadcast %jit3A_112 : f32 to vector<2048x1024xf32>
    %select_n3A_114 = arith.select %eq3A_111, %convert_element_type3A_3, %broadcast_in_dim3A_113 : vector<2048x1024xi1>, vector<2048x1024xf32>
    %reduce_min3A_115 = arith.constant dense<0x7F800000> : vector<2048xf32>
    %reduce_min3A_116 = vector.multi_reduction <minimumf>, %select_n3A_114, %reduce_min3A_115 [1] : vector<2048x1024xf32> to vector<2048xf32>
    %broadcast_in_dim3A_117 = vector.shape_cast %reduce_min3A_116 : vector<2048xf32> to vector<2048x1xf32>
    %convert_element_type3A_118 = arith.fptosi %broadcast_in_dim3A_117 : vector<2048x1xf32> to vector<2048x1xi32>
    %add3A_119 = arith.constant 2048 : i32
    %add3A_120 = vector.broadcast %add3A_119 : i32 to vector<2048x1xi32>
    %add3A_121 = arith.addi %convert_element_type3A_118, %add3A_120 : vector<2048x1xi32>
    %swap3A_122 = arith.constant 0 : index
    %swap3A_123 = arith.constant 2 : index
    %swap3A_124 = vector.load %arg4[%swap3A_122, %swap3A_123] : memref<2048x8xi32, #tpu.memory_space<vmem>>, vector<2048x1xi32>
    tpu.vector_store %arg4[%swap3A_122, %swap3A_123], %add3A_121 {strides = array<i32>} : memref<2048x8xi32, #tpu.memory_space<vmem>>, vector<2048x1xi32>,
    %reduce_sum3A_125 = arith.constant dense<0.000000e+00> : vector<1xf32>
    %reduce_sum3A_126 = vector.multi_reduction <add>, %broadcast_in_dim3A_109, %reduce_sum3A_125 [0] : vector<2048x1xf32> to vector<1xf32>
    %broadcast_in_dim3A_127 = vector.shape_cast %reduce_sum3A_126 : vector<1xf32> to vector<1x1xf32>
    %add3A_128 = arith.addf %add3A_83, %broadcast_in_dim3A_127 : vector<1x1xf32>
    %get3A_129 = arith.constant 0 : index
    %get3A_130 = arith.constant 96 : index
    %get3A_131 = vector.load %arg1[%get3A_129, %get3A_130] : memref<2048x256xf32, #tpu.memory_space<vmem>>, vector<2048x32xf32>
    %mul3A_132 = arith.mulf %get3A_131, %get3A_131 : vector<2048x32xf32>
    %reduce_sum3A_133 = arith.constant dense<0.000000e+00> : vector<2048xf32>
    %reduce_sum3A_134 = vector.multi_reduction <add>, %mul3A_132, %reduce_sum3A_133 [1] : vector<2048x32xf32> to vector<2048xf32>
    %broadcast_in_dim3A_135 = vector.shape_cast %reduce_sum3A_134 : vector<2048xf32> to vector<2048x1xf32>
    %get3A_136 = arith.constant 3 : index
    %get3A_137 = arith.constant 0 : index
    %get3A_138 = arith.constant 0 : index
    %get3A_139 = vector.load %arg2[%get3A_136, %get3A_137, %get3A_138] : memref<8x1024x32xf32, #tpu.memory_space<vmem>>, vector<1x1024x32xf32>
    %get3A_140 = vector.shape_cast %get3A_139 : vector<1x1024x32xf32> to vector<1024x32xf32>
    %dot_general3A_141 = arith.constant dense<0.000000e+00> : vector<2048x1024xf32>
    %dot_general3A_142 = tpu.matmul %get3A_131, %get3A_140, %dot_general3A_141 {dimension_numbers = #tpu.dot_dimension_numbers<[1], [1], [0], [0], [0, 0, 1, 0], [], []>, transpose_lhs_hint = false} : vector<2048x32xf32>, vector<1024x32xf32>, vector<2048x1024xf32> -> vector<2048x1024xf32>
    %get3A_143 = arith.constant 3 : index
    %get3A_144 = arith.constant 0 : index
    %get3A_145 = vector.load %arg3[%get3A_143, %get3A_144] : memref<8x1024xf32, #tpu.memory_space<vmem>>, vector<1x1024xf32>
    %get3A_146 = vector.shape_cast %get3A_145 : vector<1x1024xf32> to vector<1024xf32>
    %broadcast_in_dim3A_147 = vector.shape_cast %get3A_146 : vector<1024xf32> to vector<1x1024xf32>
    %add3A_148 = vector.broadcast %broadcast_in_dim3A_135 : vector<2048x1xf32> to vector<2048x1024xf32>
    %add3A_149 = vector.broadcast %broadcast_in_dim3A_147 : vector<1x1024xf32> to vector<2048x1024xf32>
    %add3A_150 = arith.addf %add3A_148, %add3A_149 : vector<2048x1024xf32>
    %sub3A_151 = arith.subf %add3A_150, %dot_general3A_142 : vector<2048x1024xf32>
    %reduce_min3A_152 = arith.constant dense<0x7F800000> : vector<2048xf32>
    %reduce_min3A_153 = vector.multi_reduction <minimumf>, %sub3A_151, %reduce_min3A_152 [1] : vector<2048x1024xf32> to vector<2048xf32>
    %broadcast_in_dim3A_154 = vector.shape_cast %reduce_min3A_153 : vector<2048xf32> to vector<2048x1xf32>
    %eq3A_155 = vector.broadcast %broadcast_in_dim3A_154 : vector<2048x1xf32> to vector<2048x1024xf32>
    %eq3A_156 = arith.cmpf oeq, %sub3A_151, %eq3A_155 : vector<2048x1024xf32>
    %jit3A_157 = arith.constant 1.024000e+03 : f32
    %broadcast_in_dim3A_158 = vector.broadcast %jit3A_157 : f32 to vector<2048x1024xf32>
    %select_n3A_159 = arith.select %eq3A_156, %convert_element_type3A_3, %broadcast_in_dim3A_158 : vector<2048x1024xi1>, vector<2048x1024xf32>
    %reduce_min3A_160 = arith.constant dense<0x7F800000> : vector<2048xf32>
    %reduce_min3A_161 = vector.multi_reduction <minimumf>, %select_n3A_159, %reduce_min3A_160 [1] : vector<2048x1024xf32> to vector<2048xf32>
    %broadcast_in_dim3A_162 = vector.shape_cast %reduce_min3A_161 : vector<2048xf32> to vector<2048x1xf32>
    %convert_element_type3A_163 = arith.fptosi %broadcast_in_dim3A_162 : vector<2048x1xf32> to vector<2048x1xi32>
    %add3A_164 = arith.constant 3072 : i32
    %add3A_165 = vector.broadcast %add3A_164 : i32 to vector<2048x1xi32>
    %add3A_166 = arith.addi %convert_element_type3A_163, %add3A_165 : vector<2048x1xi32>
    %swap3A_167 = arith.constant 0 : index
    %swap3A_168 = arith.constant 3 : index
    %swap3A_169 = vector.load %arg4[%swap3A_167, %swap3A_168] : memref<2048x8xi32, #tpu.memory_space<vmem>>, vector<2048x1xi32>
    tpu.vector_store %arg4[%swap3A_167, %swap3A_168], %add3A_166 {strides = array<i32>} : memref<2048x8xi32, #tpu.memory_space<vmem>>, vector<2048x1xi32>,
    %reduce_sum3A_170 = arith.constant dense<0.000000e+00> : vector<1xf32>
    %reduce_sum3A_171 = vector.multi_reduction <add>, %broadcast_in_dim3A_154, %reduce_sum3A_170 [0] : vector<2048x1xf32> to vector<1xf32>
    %broadcast_in_dim3A_172 = vector.shape_cast %reduce_sum3A_171 : vector<1xf32> to vector<1x1xf32>
    %add3A_173 = arith.addf %add3A_128, %broadcast_in_dim3A_172 : vector<1x1xf32>
    %get3A_174 = arith.constant 0 : index
    %get3A_175 = arith.constant 128 : index
    %get3A_176 = vector.load %arg1[%get3A_174, %get3A_175] : memref<2048x256xf32, #tpu.memory_space<vmem>>, vector<2048x32xf32>
    %mul3A_177 = arith.mulf %get3A_176, %get3A_176 : vector<2048x32xf32>
    %reduce_sum3A_178 = arith.constant dense<0.000000e+00> : vector<2048xf32>
    %reduce_sum3A_179 = vector.multi_reduction <add>, %mul3A_177, %reduce_sum3A_178 [1] : vector<2048x32xf32> to vector<2048xf32>
    %broadcast_in_dim3A_180 = vector.shape_cast %reduce_sum3A_179 : vector<2048xf32> to vector<2048x1xf32>
    %get3A_181 = arith.constant 4 : index
    %get3A_182 = arith.constant 0 : index
    %get3A_183 = arith.constant 0 : index
    %get3A_184 = vector.load %arg2[%get3A_181, %get3A_182, %get3A_183] : memref<8x1024x32xf32, #tpu.memory_space<vmem>>, vector<1x1024x32xf32>
    %get3A_185 = vector.shape_cast %get3A_184 : vector<1x1024x32xf32> to vector<1024x32xf32>
    %dot_general3A_186 = arith.constant dense<0.000000e+00> : vector<2048x1024xf32>
    %dot_general3A_187 = tpu.matmul %get3A_176, %get3A_185, %dot_general3A_186 {dimension_numbers = #tpu.dot_dimension_numbers<[1], [1], [0], [0], [0, 0, 1, 0], [], []>, transpose_lhs_hint = false} : vector<2048x32xf32>, vector<1024x32xf32>, vector<2048x1024xf32> -> vector<2048x1024xf32>
    %get3A_188 = arith.constant 4 : index
    %get3A_189 = arith.constant 0 : index
    %get3A_190 = vector.load %arg3[%get3A_188, %get3A_189] : memref<8x1024xf32, #tpu.memory_space<vmem>>, vector<1x1024xf32>
    %get3A_191 = vector.shape_cast %get3A_190 : vector<1x1024xf32> to vector<1024xf32>
    %broadcast_in_dim3A_192 = vector.shape_cast %get3A_191 : vector<1024xf32> to vector<1x1024xf32>
    %add3A_193 = vector.broadcast %broadcast_in_dim3A_180 : vector<2048x1xf32> to vector<2048x1024xf32>
    %add3A_194 = vector.broadcast %broadcast_in_dim3A_192 : vector<1x1024xf32> to vector<2048x1024xf32>
    %add3A_195 = arith.addf %add3A_193, %add3A_194 : vector<2048x1024xf32>
    %sub3A_196 = arith.subf %add3A_195, %dot_general3A_187 : vector<2048x1024xf32>
    %reduce_min3A_197 = arith.constant dense<0x7F800000> : vector<2048xf32>
    %reduce_min3A_198 = vector.multi_reduction <minimumf>, %sub3A_196, %reduce_min3A_197 [1] : vector<2048x1024xf32> to vector<2048xf32>
    %broadcast_in_dim3A_199 = vector.shape_cast %reduce_min3A_198 : vector<2048xf32> to vector<2048x1xf32>
    %eq3A_200 = vector.broadcast %broadcast_in_dim3A_199 : vector<2048x1xf32> to vector<2048x1024xf32>
    %eq3A_201 = arith.cmpf oeq, %sub3A_196, %eq3A_200 : vector<2048x1024xf32>
    %jit3A_202 = arith.constant 1.024000e+03 : f32
    %broadcast_in_dim3A_203 = vector.broadcast %jit3A_202 : f32 to vector<2048x1024xf32>
    %select_n3A_204 = arith.select %eq3A_201, %convert_element_type3A_3, %broadcast_in_dim3A_203 : vector<2048x1024xi1>, vector<2048x1024xf32>
    %reduce_min3A_205 = arith.constant dense<0x7F800000> : vector<2048xf32>
    %reduce_min3A_206 = vector.multi_reduction <minimumf>, %select_n3A_204, %reduce_min3A_205 [1] : vector<2048x1024xf32> to vector<2048xf32>
    %broadcast_in_dim3A_207 = vector.shape_cast %reduce_min3A_206 : vector<2048xf32> to vector<2048x1xf32>
    %convert_element_type3A_208 = arith.fptosi %broadcast_in_dim3A_207 : vector<2048x1xf32> to vector<2048x1xi32>
    %add3A_209 = arith.constant 4096 : i32
    %add3A_210 = vector.broadcast %add3A_209 : i32 to vector<2048x1xi32>
    %add3A_211 = arith.addi %convert_element_type3A_208, %add3A_210 : vector<2048x1xi32>
    %swap3A_212 = arith.constant 0 : index
    %swap3A_213 = arith.constant 4 : index
    %swap3A_214 = vector.load %arg4[%swap3A_212, %swap3A_213] : memref<2048x8xi32, #tpu.memory_space<vmem>>, vector<2048x1xi32>
    tpu.vector_store %arg4[%swap3A_212, %swap3A_213], %add3A_211 {strides = array<i32>} : memref<2048x8xi32, #tpu.memory_space<vmem>>, vector<2048x1xi32>,
    %reduce_sum3A_215 = arith.constant dense<0.000000e+00> : vector<1xf32>
    %reduce_sum3A_216 = vector.multi_reduction <add>, %broadcast_in_dim3A_199, %reduce_sum3A_215 [0] : vector<2048x1xf32> to vector<1xf32>
    %broadcast_in_dim3A_217 = vector.shape_cast %reduce_sum3A_216 : vector<1xf32> to vector<1x1xf32>
    %add3A_218 = arith.addf %add3A_173, %broadcast_in_dim3A_217 : vector<1x1xf32>
    %get3A_219 = arith.constant 0 : index
    %get3A_220 = arith.constant 160 : index
    %get3A_221 = vector.load %arg1[%get3A_219, %get3A_220] : memref<2048x256xf32, #tpu.memory_space<vmem>>, vector<2048x32xf32>
    %mul3A_222 = arith.mulf %get3A_221, %get3A_221 : vector<2048x32xf32>
    %reduce_sum3A_223 = arith.constant dense<0.000000e+00> : vector<2048xf32>
    %reduce_sum3A_224 = vector.multi_reduction <add>, %mul3A_222, %reduce_sum3A_223 [1] : vector<2048x32xf32> to vector<2048xf32>
    %broadcast_in_dim3A_225 = vector.shape_cast %reduce_sum3A_224 : vector<2048xf32> to vector<2048x1xf32>
    %get3A_226 = arith.constant 5 : index
    %get3A_227 = arith.constant 0 : index
    %get3A_228 = arith.constant 0 : index
    %get3A_229 = vector.load %arg2[%get3A_226, %get3A_227, %get3A_228] : memref<8x1024x32xf32, #tpu.memory_space<vmem>>, vector<1x1024x32xf32>
    %get3A_230 = vector.shape_cast %get3A_229 : vector<1x1024x32xf32> to vector<1024x32xf32>
    %dot_general3A_231 = arith.constant dense<0.000000e+00> : vector<2048x1024xf32>
    %dot_general3A_232 = tpu.matmul %get3A_221, %get3A_230, %dot_general3A_231 {dimension_numbers = #tpu.dot_dimension_numbers<[1], [1], [0], [0], [0, 0, 1, 0], [], []>, transpose_lhs_hint = false} : vector<2048x32xf32>, vector<1024x32xf32>, vector<2048x1024xf32> -> vector<2048x1024xf32>
    %get3A_233 = arith.constant 5 : index
    %get3A_234 = arith.constant 0 : index
    %get3A_235 = vector.load %arg3[%get3A_233, %get3A_234] : memref<8x1024xf32, #tpu.memory_space<vmem>>, vector<1x1024xf32>
    %get3A_236 = vector.shape_cast %get3A_235 : vector<1x1024xf32> to vector<1024xf32>
    %broadcast_in_dim3A_237 = vector.shape_cast %get3A_236 : vector<1024xf32> to vector<1x1024xf32>
    %add3A_238 = vector.broadcast %broadcast_in_dim3A_225 : vector<2048x1xf32> to vector<2048x1024xf32>
    %add3A_239 = vector.broadcast %broadcast_in_dim3A_237 : vector<1x1024xf32> to vector<2048x1024xf32>
    %add3A_240 = arith.addf %add3A_238, %add3A_239 : vector<2048x1024xf32>
    %sub3A_241 = arith.subf %add3A_240, %dot_general3A_232 : vector<2048x1024xf32>
    %reduce_min3A_242 = arith.constant dense<0x7F800000> : vector<2048xf32>
    %reduce_min3A_243 = vector.multi_reduction <minimumf>, %sub3A_241, %reduce_min3A_242 [1] : vector<2048x1024xf32> to vector<2048xf32>
    %broadcast_in_dim3A_244 = vector.shape_cast %reduce_min3A_243 : vector<2048xf32> to vector<2048x1xf32>
    %eq3A_245 = vector.broadcast %broadcast_in_dim3A_244 : vector<2048x1xf32> to vector<2048x1024xf32>
    %eq3A_246 = arith.cmpf oeq, %sub3A_241, %eq3A_245 : vector<2048x1024xf32>
    %jit3A_247 = arith.constant 1.024000e+03 : f32
    %broadcast_in_dim3A_248 = vector.broadcast %jit3A_247 : f32 to vector<2048x1024xf32>
    %select_n3A_249 = arith.select %eq3A_246, %convert_element_type3A_3, %broadcast_in_dim3A_248 : vector<2048x1024xi1>, vector<2048x1024xf32>
    %reduce_min3A_250 = arith.constant dense<0x7F800000> : vector<2048xf32>
    %reduce_min3A_251 = vector.multi_reduction <minimumf>, %select_n3A_249, %reduce_min3A_250 [1] : vector<2048x1024xf32> to vector<2048xf32>
    %broadcast_in_dim3A_252 = vector.shape_cast %reduce_min3A_251 : vector<2048xf32> to vector<2048x1xf32>
    %convert_element_type3A_253 = arith.fptosi %broadcast_in_dim3A_252 : vector<2048x1xf32> to vector<2048x1xi32>
    %add3A_254 = arith.constant 5120 : i32
    %add3A_255 = vector.broadcast %add3A_254 : i32 to vector<2048x1xi32>
    %add3A_256 = arith.addi %convert_element_type3A_253, %add3A_255 : vector<2048x1xi32>
    %swap3A_257 = arith.constant 0 : index
    %swap3A_258 = arith.constant 5 : index
    %swap3A_259 = vector.load %arg4[%swap3A_257, %swap3A_258] : memref<2048x8xi32, #tpu.memory_space<vmem>>, vector<2048x1xi32>
    tpu.vector_store %arg4[%swap3A_257, %swap3A_258], %add3A_256 {strides = array<i32>} : memref<2048x8xi32, #tpu.memory_space<vmem>>, vector<2048x1xi32>,
    %reduce_sum3A_260 = arith.constant dense<0.000000e+00> : vector<1xf32>
    %reduce_sum3A_261 = vector.multi_reduction <add>, %broadcast_in_dim3A_244, %reduce_sum3A_260 [0] : vector<2048x1xf32> to vector<1xf32>
    %broadcast_in_dim3A_262 = vector.shape_cast %reduce_sum3A_261 : vector<1xf32> to vector<1x1xf32>
    %add3A_263 = arith.addf %add3A_218, %broadcast_in_dim3A_262 : vector<1x1xf32>
    %get3A_264 = arith.constant 0 : index
    %get3A_265 = arith.constant 192 : index
    %get3A_266 = vector.load %arg1[%get3A_264, %get3A_265] : memref<2048x256xf32, #tpu.memory_space<vmem>>, vector<2048x32xf32>
    %mul3A_267 = arith.mulf %get3A_266, %get3A_266 : vector<2048x32xf32>
    %reduce_sum3A_268 = arith.constant dense<0.000000e+00> : vector<2048xf32>
    %reduce_sum3A_269 = vector.multi_reduction <add>, %mul3A_267, %reduce_sum3A_268 [1] : vector<2048x32xf32> to vector<2048xf32>
    %broadcast_in_dim3A_270 = vector.shape_cast %reduce_sum3A_269 : vector<2048xf32> to vector<2048x1xf32>
    %get3A_271 = arith.constant 6 : index
    %get3A_272 = arith.constant 0 : index
    %get3A_273 = arith.constant 0 : index
    %get3A_274 = vector.load %arg2[%get3A_271, %get3A_272, %get3A_273] : memref<8x1024x32xf32, #tpu.memory_space<vmem>>, vector<1x1024x32xf32>
    %get3A_275 = vector.shape_cast %get3A_274 : vector<1x1024x32xf32> to vector<1024x32xf32>
    %dot_general3A_276 = arith.constant dense<0.000000e+00> : vector<2048x1024xf32>
    %dot_general3A_277 = tpu.matmul %get3A_266, %get3A_275, %dot_general3A_276 {dimension_numbers = #tpu.dot_dimension_numbers<[1], [1], [0], [0], [0, 0, 1, 0], [], []>, transpose_lhs_hint = false} : vector<2048x32xf32>, vector<1024x32xf32>, vector<2048x1024xf32> -> vector<2048x1024xf32>
    %get3A_278 = arith.constant 6 : index
    %get3A_279 = arith.constant 0 : index
    %get3A_280 = vector.load %arg3[%get3A_278, %get3A_279] : memref<8x1024xf32, #tpu.memory_space<vmem>>, vector<1x1024xf32>
    %get3A_281 = vector.shape_cast %get3A_280 : vector<1x1024xf32> to vector<1024xf32>
    %broadcast_in_dim3A_282 = vector.shape_cast %get3A_281 : vector<1024xf32> to vector<1x1024xf32>
    %add3A_283 = vector.broadcast %broadcast_in_dim3A_270 : vector<2048x1xf32> to vector<2048x1024xf32>
    %add3A_284 = vector.broadcast %broadcast_in_dim3A_282 : vector<1x1024xf32> to vector<2048x1024xf32>
    %add3A_285 = arith.addf %add3A_283, %add3A_284 : vector<2048x1024xf32>
    %sub3A_286 = arith.subf %add3A_285, %dot_general3A_277 : vector<2048x1024xf32>
    %reduce_min3A_287 = arith.constant dense<0x7F800000> : vector<2048xf32>
    %reduce_min3A_288 = vector.multi_reduction <minimumf>, %sub3A_286, %reduce_min3A_287 [1] : vector<2048x1024xf32> to vector<2048xf32>
    %broadcast_in_dim3A_289 = vector.shape_cast %reduce_min3A_288 : vector<2048xf32> to vector<2048x1xf32>
    %eq3A_290 = vector.broadcast %broadcast_in_dim3A_289 : vector<2048x1xf32> to vector<2048x1024xf32>
    %eq3A_291 = arith.cmpf oeq, %sub3A_286, %eq3A_290 : vector<2048x1024xf32>
    %jit3A_292 = arith.constant 1.024000e+03 : f32
    %broadcast_in_dim3A_293 = vector.broadcast %jit3A_292 : f32 to vector<2048x1024xf32>
    %select_n3A_294 = arith.select %eq3A_291, %convert_element_type3A_3, %broadcast_in_dim3A_293 : vector<2048x1024xi1>, vector<2048x1024xf32>
    %reduce_min3A_295 = arith.constant dense<0x7F800000> : vector<2048xf32>
    %reduce_min3A_296 = vector.multi_reduction <minimumf>, %select_n3A_294, %reduce_min3A_295 [1] : vector<2048x1024xf32> to vector<2048xf32>
    %broadcast_in_dim3A_297 = vector.shape_cast %reduce_min3A_296 : vector<2048xf32> to vector<2048x1xf32>
    %convert_element_type3A_298 = arith.fptosi %broadcast_in_dim3A_297 : vector<2048x1xf32> to vector<2048x1xi32>
    %add3A_299 = arith.constant 6144 : i32
    %add3A_300 = vector.broadcast %add3A_299 : i32 to vector<2048x1xi32>
    %add3A_301 = arith.addi %convert_element_type3A_298, %add3A_300 : vector<2048x1xi32>
    %swap3A_302 = arith.constant 0 : index
    %swap3A_303 = arith.constant 6 : index
    %swap3A_304 = vector.load %arg4[%swap3A_302, %swap3A_303] : memref<2048x8xi32, #tpu.memory_space<vmem>>, vector<2048x1xi32>
    tpu.vector_store %arg4[%swap3A_302, %swap3A_303], %add3A_301 {strides = array<i32>} : memref<2048x8xi32, #tpu.memory_space<vmem>>, vector<2048x1xi32>,
    %reduce_sum3A_305 = arith.constant dense<0.000000e+00> : vector<1xf32>
    %reduce_sum3A_306 = vector.multi_reduction <add>, %broadcast_in_dim3A_289, %reduce_sum3A_305 [0] : vector<2048x1xf32> to vector<1xf32>
    %broadcast_in_dim3A_307 = vector.shape_cast %reduce_sum3A_306 : vector<1xf32> to vector<1x1xf32>
    %add3A_308 = arith.addf %add3A_263, %broadcast_in_dim3A_307 : vector<1x1xf32>
    %get3A_309 = arith.constant 0 : index
    %get3A_310 = arith.constant 224 : index
    %get3A_311 = vector.load %arg1[%get3A_309, %get3A_310] : memref<2048x256xf32, #tpu.memory_space<vmem>>, vector<2048x32xf32>
    %mul3A_312 = arith.mulf %get3A_311, %get3A_311 : vector<2048x32xf32>
    %reduce_sum3A_313 = arith.constant dense<0.000000e+00> : vector<2048xf32>
    %reduce_sum3A_314 = vector.multi_reduction <add>, %mul3A_312, %reduce_sum3A_313 [1] : vector<2048x32xf32> to vector<2048xf32>
    %broadcast_in_dim3A_315 = vector.shape_cast %reduce_sum3A_314 : vector<2048xf32> to vector<2048x1xf32>
    %get3A_316 = arith.constant 7 : index
    %get3A_317 = arith.constant 0 : index
    %get3A_318 = arith.constant 0 : index
    %get3A_319 = vector.load %arg2[%get3A_316, %get3A_317, %get3A_318] : memref<8x1024x32xf32, #tpu.memory_space<vmem>>, vector<1x1024x32xf32>
    %get3A_320 = vector.shape_cast %get3A_319 : vector<1x1024x32xf32> to vector<1024x32xf32>
    %dot_general3A_321 = arith.constant dense<0.000000e+00> : vector<2048x1024xf32>
    %dot_general3A_322 = tpu.matmul %get3A_311, %get3A_320, %dot_general3A_321 {dimension_numbers = #tpu.dot_dimension_numbers<[1], [1], [0], [0], [0, 0, 1, 0], [], []>, transpose_lhs_hint = false} : vector<2048x32xf32>, vector<1024x32xf32>, vector<2048x1024xf32> -> vector<2048x1024xf32>
    %get3A_323 = arith.constant 7 : index
    %get3A_324 = arith.constant 0 : index
    %get3A_325 = vector.load %arg3[%get3A_323, %get3A_324] : memref<8x1024xf32, #tpu.memory_space<vmem>>, vector<1x1024xf32>
    %get3A_326 = vector.shape_cast %get3A_325 : vector<1x1024xf32> to vector<1024xf32>
    %broadcast_in_dim3A_327 = vector.shape_cast %get3A_326 : vector<1024xf32> to vector<1x1024xf32>
    %add3A_328 = vector.broadcast %broadcast_in_dim3A_315 : vector<2048x1xf32> to vector<2048x1024xf32>
    %add3A_329 = vector.broadcast %broadcast_in_dim3A_327 : vector<1x1024xf32> to vector<2048x1024xf32>
    %add3A_330 = arith.addf %add3A_328, %add3A_329 : vector<2048x1024xf32>
    %sub3A_331 = arith.subf %add3A_330, %dot_general3A_322 : vector<2048x1024xf32>
    %reduce_min3A_332 = arith.constant dense<0x7F800000> : vector<2048xf32>
    %reduce_min3A_333 = vector.multi_reduction <minimumf>, %sub3A_331, %reduce_min3A_332 [1] : vector<2048x1024xf32> to vector<2048xf32>
    %broadcast_in_dim3A_334 = vector.shape_cast %reduce_min3A_333 : vector<2048xf32> to vector<2048x1xf32>
    %eq3A_335 = vector.broadcast %broadcast_in_dim3A_334 : vector<2048x1xf32> to vector<2048x1024xf32>
    %eq3A_336 = arith.cmpf oeq, %sub3A_331, %eq3A_335 : vector<2048x1024xf32>
    %jit3A_337 = arith.constant 1.024000e+03 : f32
    %broadcast_in_dim3A_338 = vector.broadcast %jit3A_337 : f32 to vector<2048x1024xf32>
    %select_n3A_339 = arith.select %eq3A_336, %convert_element_type3A_3, %broadcast_in_dim3A_338 : vector<2048x1024xi1>, vector<2048x1024xf32>
    %reduce_min3A_340 = arith.constant dense<0x7F800000> : vector<2048xf32>
    %reduce_min3A_341 = vector.multi_reduction <minimumf>, %select_n3A_339, %reduce_min3A_340 [1] : vector<2048x1024xf32> to vector<2048xf32>
    %broadcast_in_dim3A_342 = vector.shape_cast %reduce_min3A_341 : vector<2048xf32> to vector<2048x1xf32>
    %convert_element_type3A_343 = arith.fptosi %broadcast_in_dim3A_342 : vector<2048x1xf32> to vector<2048x1xi32>
    %add3A_344 = arith.constant 7168 : i32
    %add3A_345 = vector.broadcast %add3A_344 : i32 to vector<2048x1xi32>
    %add3A_346 = arith.addi %convert_element_type3A_343, %add3A_345 : vector<2048x1xi32>
    %swap3A_347 = arith.constant 0 : index
    %swap3A_348 = arith.constant 7 : index
    %swap3A_349 = vector.load %arg4[%swap3A_347, %swap3A_348] : memref<2048x8xi32, #tpu.memory_space<vmem>>, vector<2048x1xi32>
    tpu.vector_store %arg4[%swap3A_347, %swap3A_348], %add3A_346 {strides = array<i32>} : memref<2048x8xi32, #tpu.memory_space<vmem>>, vector<2048x1xi32>,
    %reduce_sum3A_350 = arith.constant dense<0.000000e+00> : vector<1xf32>
    %reduce_sum3A_351 = vector.multi_reduction <add>, %broadcast_in_dim3A_334, %reduce_sum3A_350 [0] : vector<2048x1xf32> to vector<1xf32>
    %broadcast_in_dim3A_352 = vector.shape_cast %reduce_sum3A_351 : vector<1xf32> to vector<1x1xf32>
    %add3A_353 = arith.addf %add3A_308, %broadcast_in_dim3A_352 : vector<1x1xf32>
    %get3A_354 = arith.constant 0 : index
    %get3A_355 = arith.constant 0 : index
    %get3A_356 = vector.load %arg5[%get3A_354, %get3A_355] : memref<1x1xf32, #tpu.memory_space<vmem>>, vector<1x1xf32>
    %add3A_357 = arith.addf %get3A_356, %add3A_353 : vector<1x1xf32>
    %swap3A_358 = arith.constant 0 : index
    %swap3A_359 = arith.constant 0 : index
    %swap3A_360 = vector.load %arg5[%swap3A_358, %swap3A_359] : memref<1x1xf32, #tpu.memory_space<vmem>>, vector<1x1xf32>
    tpu.vector_store %arg5[%swap3A_358, %swap3A_359], %add3A_357 {strides = array<i32>} : memref<1x1xf32, #tpu.memory_space<vmem>>, vector<1x1xf32>,
    return
  }
  func.func @transform_0(%arg0: i32) -> (i32, i32) {
    %c0_i32 = arith.constant 0 : i32
    %c0_i32_0 = arith.constant 0 : i32
    return %arg0, %c0_i32 : i32, i32
  }
  func.func @transform_1(%arg0: i32) -> (i32, i32, i32) {
    %c0_i32 = arith.constant 0 : i32
    %c0_i32_0 = arith.constant 0 : i32
    %c0_i32_1 = arith.constant 0 : i32
    %c0_i32_2 = arith.constant 0 : i32
    return %c0_i32, %c0_i32_0, %c0_i32_1 : i32, i32, i32
  }
  func.func @transform_2(%arg0: i32) -> (i32, i32) {
    %c0_i32 = arith.constant 0 : i32
    %c0_i32_0 = arith.constant 0 : i32
    %c0_i32_1 = arith.constant 0 : i32
    return %c0_i32, %c0_i32_0 : i32, i32
  }
  func.func @transform_3(%arg0: i32) -> (i32, i32) {
    %c0_i32 = arith.constant 0 : i32
    %c0_i32_0 = arith.constant 0 : i32
    return %arg0, %c0_i32 : i32, i32
  }
  func.func @transform_4(%arg0: i32) -> (i32, i32) {
    %c0_i32 = arith.constant 0 : i32
    %c0_i32_0 = arith.constant 0 : i32
    %c0_i32_1 = arith.constant 0 : i32
    return %c0_i32, %c0_i32_0 : i32, i32
  }
}

</mosaic_0001>

<sc_bundles>
// kernel: kernel.4.cloned.1.call-start
scs
__scs_entry_jumppad:
0x0: {  	(pc) =	sbr.rel $0x88, $3  }
0x1: {  	(tag) =	ssettag $0x0;
	lr =	simm.s32 $0x1  }
0x2: {  	[smem:$0x3F9F] =	sst lr;
	_ =	strace $0xD0000000  }
0x3: {  	_ = 	snop  }
0x4: {  	_ = 	snop  }
0x5: {  	_ = 	snop  }
0x6: {  	_ = 	snop  }
0x7: {  	_ = 	snop  }
__scs_overlays_trampoline_lowered:
0x8: {  	[smem:$0x3FAE] =	sst s0  }
0x9: {  	[smem:$0x3FAF] =	sst s1  }
0xa: {  	[smem:$0x3FB0] =	sst s2  }
0xb: {  	[smem:$0x3FB1] =	sst s3  }
0xc: {  	[smem:$0x3FB2] =	sst s4  }
0xd: {  	[smem:$0x3FB3] =	sst s5  }
0xe: {  	[smem:$0x3FB4] =	sst s6  }
0xf: {  	[smem:$0x3FB5] =	sst s7  }
0x10: {  	[smem:$0x3FB6] =	sst s8  }
0x11: {  	[smem:$0x3FB7] =	sst s9;
	s0 =	simm.s32 @!p0 $0x0  }
0x12: {  	s1 =	sld [smem:$0x3F9D];
	s0 =	simm.s32 @p0 $0x1  }
0x13: {  	[smem:$0x3FB8] =	sst s0;
	s0 =	simm.s32 @!p1 $0x0  }
0x14: {  	s2 =	sld [smem:$0x3F9C];
	s0 =	simm.s32 @p1 $0x1  }
0x15: {  	[smem:$0x3FB9] =	sst s0;
	s0 =	simm.s32 @!p2 $0x0  }
0x16: {  	s3 =	sld [smem:$0x3FDB];
	s0 =	simm.s32 @p2 $0x1  }
0x17: {  	s4 =	simm.s32 $0x1BF5;
	[smem:$0x3FBB] =	sst s0  }
0x18: {  	s0 =	sld [smem:$0x3F9E];
	_ =	swait.ge [sflag:s4], $0x0  }
0x19: {  	s7 =	sld [smem:$0x3F9F]  }
0x1a: {  	s8 =	sadd.s32 $0xFFFFE003, lr  }
0x1b: {  	s9 =	sadd.s32 $0xFFFFFEF7, lr;
	s5 =	simm.s32 $0xFFFFFFFF;
	p2 =	slt.u32 s8, $0xFFFFF086  }
0x1c: {  	p1 =	slt.u32 s9, $0xF7A;
	s5 =	simm.s32 @!p2 $0x0  }
0x1d: {  	s5 =	simm.s32 @p1 $0x1;
	p0 =	seq.s32 s7, s2  }
0x1e: {  	s7 =	smul.u32 @!p0 $0xF7A, s2;
	p2 =	seq.s32 @!p0 s5, $0x0  }
0x1f: {  	s9 =	smul.u32 $0xF7A, s1;
	s8 =	simm.s32 @!p0 $0x1BF5;
	p2 =	por !p2, p0  }
0x20: {  	[sflag:s8] =	ssyncset.s32 @!p0 $0xFFFFF086;
	s6 =	sadd.s32 @!p0 s3, s7;
	s7 =	simm.s32 @!p0 $0x108  }
0x21: {  	s3 =	sadd.s32 s3, s9;
	s6 =	sadd.s32 @!p0 $0x88, s6;
	s7 =	simm.s32 @p2 $0x1082  }
0x22: {  	[simem:s7], [sflag:s8] =	dma.local @!p0 [hbm:s6], $0xF7A  }
0x23: {  	s9 =	sor.u32 $0xD0000000, s2;
	s6 =	simm.s32 $0x108;
	_ =	swait.ge @!p0 [sflag:s8], $0x0  }
0x24: {  	s3 =	sadd.s32 $0x88, s3;
	s6 =	simm.s32 @!p1 $0x1082;
	[sflag:s4] =	ssyncset.s32 $0xFFFFF086  }
0x25: {  	[simem:s6], [sflag:s4] =	dma.local [hbm:s3], $0xF7A  }
0x26: {  	[smem:$0x3F9F] =	sst s1;
	(tag) =	ssettag s2;
	_ =	strace s9  }
0x27: {  	s1 =	sld [smem:$0x3FAF]  }
0x28: {  	s2 =	sld [smem:$0x3FB0]  }
0x29: {  	s4 =	sld [smem:$0x3FB2]  }
0x2a: {  	p0 =	seq.s32 s5, $0x0;
	s5 =	sld [smem:$0x3FB3]  }
0x2b: {  	s6 =	sld [smem:$0x3FB4]  }
0x2c: {  	s7 =	sld [smem:$0x3FB5]  }
0x2d: {  	s3 =	simm.s32 $0x108;
	s8 =	sld [smem:$0x3FB6]  }
0x2e: {  	s3 =	simm.s32 @!p0 $0x1082;
	s9 =	sld [smem:$0x3FB7]  }
0x2f: {  	lr =	sadd.s32 s0, s3;
	s0 =	sld [smem:$0x3FAE]  }
0x30: {  	s3 =	sld [smem:$0x3FB1]  }
0x31: {  	[smem:$0x3FBA] =	sst s10  }
0x32: {  	s10 =	sld [smem:$0x3FB8];
	_ =	sdelay $0x3  }
0x33: {  	p0 =	seq.s32 s10, $0x1;
	s10 =	sld [smem:$0x3FBA];
	_ =	sdelay $0x3  }
0x34: {  	[smem:$0x3FBA] =	sst s10  }
0x35: {  	s10 =	sld [smem:$0x3FB9];
	_ =	sdelay $0x3  }
0x36: {  	p1 =	seq.s32 s10, $0x1;
	s10 =	sld [smem:$0x3FBA];
	_ =	sdelay $0x3  }
0x37: {  	[smem:$0x3FBA] =	sst s10  }
0x38: {  	s10 =	sld [smem:$0x3FBB]  }
0x39: {  	_ = 	snop;
	(pc) =	sbr.ind lr, $3  }
0x3a: {  	_ = 	snop  }
0x3b: {  	_ = 	snop  }
0x3c: {  	p2 =	seq.s32 s10, $0x1;
	s10 =	sld [smem:$0x3FBA]  }
0x3d: {  	_ =	shalt  }
0x3e: {  	_ =	shalt  }
0x3f: {  	_ =	shalt  }
0x40: {  	_ =	shalt  }
0x41: {  	_ =	shalt  }
0x42: {  	_ =	shalt  }
0x43: {  	_ =	shalt  }
0x44: {  	_ =	shalt  }
0x45: {  	_ =	shalt  }
0x46: {  	_ =	shalt  }
0x47: {  	_ =	shalt  }
0x48: {  	_ =	shalt  }
0x49: {  	_ =	shalt  }
0x4a: {  	_ =	shalt  }
0x4b: {  	_ =	shalt  }
0x4c: {  	_ =	shalt  }
0x4d: {  	_ =	shalt  }
0x4e: {  	_ =	shalt  }
0x4f: {  	_ =	shalt  }
0x50: {  	_ =	shalt  }
0x51: {  	_ =	shalt  }
0x52: {  	_ =	shalt  }
0x53: {  	_ =	shalt  }
0x54: {  	_ =	shalt  }
0x55: {  	_ =	shalt  }
0x56: {  	_ =	shalt  }
0x57: {  	_ =	shalt  }
0x58: {  	_ =	shalt  }
0x59: {  	_ =	shalt  }
0x5a: {  	_ =	shalt  }
0x5b: {  	_ =	shalt  }
0x5c: {  	_ =	shalt  }
0x5d: {  	_ =	shalt  }
0x5e: {  	_ =	shalt  }
0x5f: {  	_ =	shalt  }
0x60: {  	_ =	shalt  }
0x61: {  	_ =	shalt  }
0x62: {  	_ =	shalt  }
0x63: {  	_ =	shalt  }
0x64: {  	_ =	shalt  }
0x65: {  	_ =	shalt  }
0x66: {  	_ =	shalt  }
0x67: {  	_ =	shalt  }
0x68: {  	_ =	shalt  }
0x69: {  	_ =	shalt  }
0x6a: {  	_ =	shalt  }
0x6b: {  	_ =	shalt  }
0x6c: {  	_ =	shalt  }
0x6d: {  	_ =	shalt  }
0x6e: {  	_ =	shalt  }
0x6f: {  	_ =	shalt  }
0x70: {  	_ =	shalt  }
0x71: {  	_ =	shalt  }
0x72: {  	_ =	shalt  }
0x73: {  	_ =	shalt  }
0x74: {  	_ =	shalt  }
0x75: {  	_ =	shalt  }
0x76: {  	_ =	shalt  }
0x77: {  	_ =	shalt  }
0x78: {  	_ =	shalt  }
0x79: {  	_ =	shalt  }
0x7a: {  	_ =	shalt  }
0x7b: {  	_ =	shalt  }
0x7c: {  	_ =	shalt  }
0x7d: {  	_ =	shalt  }
0x7e: {  	_ =	shalt  }
0x7f: {  	_ =	shalt  }
0x80: {  	_ =	shalt  }
0x81: {  	_ =	shalt  }
0x82: {  	_ =	shalt  }
0x83: {  	_ =	shalt  }
0x84: {  	_ =	shalt  }
0x85: {  	_ =	shalt  }
0x86: {  	_ =	shalt  }
0x87: {  	_ =	shalt  }
.Lfunc_end0:
.L_simem_size_0:
called_computation_lowered:
.L_overlay_start_0:
0x88: {  	s2 =	sld [smem:$0x3FD9]  }
0x89: {  	s3 =	sld [smem:$0x3FFE];
	_ =	sdelay $0x1  }
0x8a: {  	s1 =	srdreg.scid  }
0x8b: {  	s0 =	sand.u32 $0x1, s1  }
0x8c: {  	s14 =	sshll.u32 s0, $0xA;
	s2 =	sadd.s32 s3, s2  }
0x8d: {  	s2 =	sadd.s32 s2, s14  }
0x8e: {  	[smem:$0x3FC6] =	sst s2  }
0x8f: {  	_ = 	snop  }
0x90: {  	s2 =	sld [smem:$0x3FD0];
	_ =	sdelay $0x2  }
0x91: {  	s15 =	simm.s32 $0xA;
	s4 =	simm.s32 $0x10  }
0x92: {  	[smem:s4], [sflag:s15] =	dma.local [hbm:s2], $0x1  }
0x93: {  	_ =	swait.eq [sflag:s15], $0x1  }
0x94: {  	[sflag:s15] =	ssyncset.done $0x0  }
0x95: {  	[sflag:s15] =	ssyncadd.s32 $0xFFFFFFFF  }
0x96: {  	s16 =	sld [smem:$0x10];
	(tm) =	ssettm $0x1  }
0x97: {  	s17 =	sld [smem:$0x3FFB];
	_ =	sdelay $0x3  }
0x98: {  	_ =	strace s17  }
0x99: {  	s3 =	sld [smem:$0x3FFC];
	_ =	sdelay $0x3  }
0x9a: {  	_ =	strace s3  }
0x9b: {  	s3 =	sld [smem:$0x3FFD];
	_ =	sdelay $0x3  }
0x9c: {  	_ =	strace s3  }
0x9d: {  	_ =	strace $0x8FFFFFFF  }
0x9e: {  	s18 =	sld [smem:$0x3FDB];
	_ =	sdelay $0x1  }
0x9f: {  	s19 =	simm.s32 $_scs_section_size  }
0xa0: {  	s5 =	simm.s32 $_size__tile_overlayer_lowered;
	s6 =	simm.s32 $_tile_overlayer_lowered  }
0xa1: {  	s22 =	simm.s32 $0x1BFF;
	s21 =	sshll.u32 s6, $0x1;
	s3 =	sadd.s32 s19, s18  }
0xa2: {  	s7 =	simm.s32 $0x0;
	s20 =	sshll.u32 s5, $0x1;
	s5 =	sadd.s32 s21, s3  }
0xa3: {  	[timem:s7], [sflag:s22] =	dma.local [hbm:s5], s20  }
0xa4: {  	_ =	swait.ge [sflag:s22], s20  }
0xa5: {  	s4 =	ssub.s32 $0x0, s20;
	[sflag:s22] =	ssyncset.done $0x0  }
0xa6: {  	[sflag:s22] =	ssyncadd.s32 s4;
	_ =	sdelay $0x1  }
0xa7: {  	s23 =	simm.s32 $0x1B8B  }
0xa8: {  	_ =	swait.ge [sflag:s23], $0x1  }
0xa9: {  	[sflag:s23] =	ssyncset.done $0x0  }
0xaa: {  	s25 =	simm.s32 $0x1B8E;
	s24 =	sld [smem:$0x3FFE];
	[sflag:s23] =	ssyncadd.s32 $0xFFFFFFFF  }
0xab: {  	s26 =	simm.s32 $execute0_lowered;
	[smem:$0x3FD2] =	sst s25  }
0xac: {  	s5 =	sshll.u32 s26, $0x1;
	_ =	strace $0x80000046;
	[dreg:$0x1] =	wrdreg $0xFFFFFFFF  }
0xad: {  	s28 =	simm.s32 $_size_execute0_lowered;
	s3 =	sadd.s32 s3, s5;
	[dreg:$0x0] =	wrdreg $0x0  }
0xae: {  	s5 =	sshll.u32 s28, $0x1;
	[dreg:$0x2] =	wrdreg s3  }
0xaf: {  	[dreg:$0x3] =	wrdreg s5  }
0xb0: {  	[dreg:$0x4] =	wrdreg $0xC0  }
0xb1: {  	_ =	task [dreg:s7], $0x5FFFF  }
0xb2: {  	[dreg:$0x1] =	wrdreg $0xFFFFFFFF  }
0xb3: {  	[dreg:$0x0] =	wrdreg $0x60  }
0xb4: {  	[dreg:$0x2] =	wrdreg s16  }
0xb5: {  	[dreg:$0x3] =	wrdreg s24  }
0xb6: {  	[dreg:$0x4] =	wrdreg $0x9  }
0xb7: {  	_ =	task.clear_ibuf [dreg:s7], $0x5FFFF;
	_ =	strace $0x90000046  }
0xb8: {  	s29 =	simm.s32 $0x9;
	_ =	strace $0x80000048  }
0xb9: {  	_ =	swait.ge [sflag:s29], $0x1  }
0xba: {  	[sflag:s29] =	ssyncadd.s32 $0xFFFFFFFF  }
0xbb: {  	_ =	strace $0x90000048  }
0xbc: {  	_ =	sfence  }
0xbd: {  	s30 =	sld [smem:$0x0];
	_ =	sdelay $0x2  }
0xbe: {  	s31 =	sshll.u32 s1, $0xD;
	s1 =	sshrl.u32 s1, $0x2  }
0xbf: {  	s3 =	sand.u32 $0x4000, s31;
	s1 =	sadd.s32 s1, s30  }
0xc0: {  	s0 =	sor.u32 s3, s0;
	s1 =	sshll.u32 s1, $0x11  }
0xc1: {  	s0 =	sor.u32 s1, s0  }
0xc2: {  	s0 =	sadd.s32 $0x8F2B, s0  }
0xc3: {  	[sflag:s0] =	ssyncadd.remote.s32 $0x1  }
0xc4: {  	_ =	sfence.sel $0xFFFF  }
0xc5: {  	[dreg:$0x0] =	wrdreg $0xFFFFFFFF;
	(pc) =	sbr.abs _section_cstart, $3  }
0xc6: {  	[dreg:$0x1] =	wrdreg $0xFFFFFFFF  }
0xc7: {  	_ =	task.clear_ibuf [dreg:s7], $0x2FFFF;
	_ =	strace $0x9FFFFFFF  }
0xc8: {  	(tm) =	ssettm $0x7FFFFFFF  }
0xc9: {  	_ =	shalt  }
tec
execute0_lowered:
.L_overlay_start_1:
0x0: {  	(tag) =	ssettag $0x1  }
0x1: {  	s1 =	srdreg.scid  }
0x2: {  	s2 =	rddreg [dreg:$0x0];
	s0 =	stileid.u32;
	s17 =	sand.u32 $0x1, s1  }
0x3: {  	s11 =	rddreg [dreg:$0x1];
	s4 =	sshll.u32 s0, $0xD;
	s5 =	sshll.u32 s17, $0xC  }
0x4: {  	s3 =	simm.s32 $0x0;
	s1 =	rddreg [dreg:$0x2];
	s15 =	sor.u32 s5, s4  }
0x5: {  	[smem:$0x7FF] =	sst s3;
	s16 =	sadd.s32 $0x200, s11;
	s4 =	sshrl.u32 s15, $0x3  }
0x6: {  	_ =	strace $0x80000047;
	s5 =	sadd.s32 s16, s4;
	s4 =	simm.s32 $0x3  }
0x7: {  	[tilespmem:s3], [sflag:$0x3] =	stream.linear.gather [hbm4b:s5+s3], $0x400, $0x38;
	[tilespmem:$0x10800] =	vst v63  }
0x8: {  	_ =	swait.ge [sflag:s4], $0x400  }
0x9: {  	s6 =	simm.s32 $0x400;
	s14 =	sor.u32 $0x400, s15;
	[sflag:s4] =	ssyncset.done $0x0  }
0xa: {  	s7 =	simm.s32 $0x800;
	s8 =	sshrl.u32 s14, $0x3;
	[sflag:s4] =	ssyncadd.s32 $0xFFFFFC00  }
0xb: {  	[tilespmem:s7], [sflag:$0x1] =	stream.indirect.gather [hbm4b:s2+s6], $0x20, s3, s6, $0xb8;
	[tilespmem:$0x10800] =	vst v63  }
0xc: {  	s8 =	sadd.s32 s16, s8  }
0xd: {  	[tilespmem:s6], [sflag:$0x3] =	stream.linear.gather [hbm4b:s8+s3], $0x400, $0x38;
	[tilespmem:$0x10800] =	vst v63  }
0xe: {  	_ =	swait.ge [sflag:s4], $0x400  }
0xf: {  	[sflag:s4] =	ssyncset.done $0x0  }
0x10: {  	s9 =	simm.s32 $0x8800;
	s10 =	simm.s32 $0x1;
	[sflag:s4] =	ssyncadd.s32 $0xFFFFFC00  }
0x11: {  	[tilespmem:s9], [sflag:$0x2] =	stream.indirect.gather [hbm4b:s2+s6], $0x20, s6, s6, $0xb8;
	[tilespmem:$0x10800] =	vst v63  }
0x12: {  	_ =	swait.ge [sflag:s10], $0x8000  }
0x13: {  	s18 =	sadd.s32 $0x4200, s11;
	s26 =	sshll.u32 s15, $0x2;
	[sflag:s10] =	ssyncset.done $0x0  }
0x14: {  	s11 =	sadd.s32 s18, s26;
	[sflag:s10] =	ssyncadd.s32 $0xFFFF8000  }
0x15: {  	[hbm4b:s11+s3] =	stream.linear.scatter [tilespmem:s7], [sflag:$0x3], $0x8000, $0x38;
	[tilespmem:$0x10800] =	vst v63  }
0x16: {  	s19 =	sor.u32 $0x800, s15;
	_ =	swait.ge [sflag:s4], $0x8000  }
0x17: {  	s12 =	sshrl.u32 s19, $0x3;
	[sflag:s4] =	ssyncset.done $0x0  }
0x18: {  	s12 =	sadd.s32 s16, s12;
	[sflag:s4] =	ssyncadd.s32 $0xFFFF8000  }
0x19: {  	[tilespmem:s3], [sflag:$0x3] =	stream.linear.gather [hbm4b:s12+s3], $0x400, $0x38;
	[tilespmem:$0x10800] =	vst v63  }
0x1a: {  	_ =	swait.ge [sflag:s4], $0x400  }
0x1b: {  	[sflag:s4] =	ssyncset.done $0x0  }
0x1c: {  	s13 =	simm.s32 $0x2;
	[sflag:s4] =	ssyncadd.s32 $0xFFFFFC00  }
0x1d: {  	[tilespmem:s7], [sflag:$0x1] =	stream.indirect.gather [hbm4b:s2+s6], $0x20, s3, s6, $0xb8;
	[tilespmem:$0x10800] =	vst v63  }
0x1e: {  	_ =	swait.ge [sflag:s13], $0x8000  }
0x1f: {  	s14 =	sshll.u32 s14, $0x2;
	[sflag:s13] =	ssyncset.done $0x0  }
0x20: {  	s14 =	sadd.s32 s18, s14;
	[sflag:s13] =	ssyncadd.s32 $0xFFFF8000  }
0x21: {  	[hbm4b:s14+s3] =	stream.linear.scatter [tilespmem:s9], [sflag:$0x3], $0x8000, $0x38;
	[tilespmem:$0x10800] =	vst v63  }
0x22: {  	s20 =	sor.u32 $0xC00, s15;
	_ =	swait.ge [sflag:s4], $0x8000  }
0x23: {  	s15 =	sshrl.u32 s20, $0x3;
	[sflag:s4] =	ssyncset.done $0x0  }
0x24: {  	s15 =	sadd.s32 s16, s15;
	[sflag:s4] =	ssyncadd.s32 $0xFFFF8000  }
0x25: {  	[tilespmem:s6], [sflag:$0x3] =	stream.linear.gather [hbm4b:s15+s3], $0x400, $0x38;
	[tilespmem:$0x10800] =	vst v63  }
0x26: {  	_ =	swait.ge [sflag:s4], $0x400  }
0x27: {  	[sflag:s4] =	ssyncset.done $0x0  }
0x28: {  	[sflag:s4] =	ssyncadd.s32 $0xFFFFFC00  }
0x29: {  	[tilespmem:s9], [sflag:$0x2] =	stream.indirect.gather [hbm4b:s2+s6], $0x20, s6, s6, $0xb8;
	[tilespmem:$0x10800] =	vst v63  }
0x2a: {  	_ =	swait.ge [sflag:s10], $0x8000  }
0x2b: {  	s28 =	sshll.u32 s19, $0x2;
	[sflag:s10] =	ssyncset.done $0x0  }
0x2c: {  	s17 =	ssub.s32 $0x2, s17;
	s16 =	sadd.s32 s18, s28;
	[sflag:s10] =	ssyncadd.s32 $0xFFFF8000  }
0x2d: {  	[hbm4b:s16+s3] =	stream.linear.scatter [tilespmem:s7], [sflag:$0x3], $0x8000, $0x38;
	[tilespmem:$0x10800] =	vst v63  }
0x2e: {  	s29 =	sshrl.u32 s17, $0x1;
	_ =	swait.ge [sflag:s4], $0x8000  }
0x2f: {  	s19 =	ssub.s32 s17, s29;
	[sflag:s4] =	ssyncset.done $0x0  }
0x30: {  	s31 =	smax.u32 s19, $0x1;
	[sflag:s4] =	ssyncadd.s32 $0xFFFF8000  }
0x31: {  	p0 =	sne.s32 s31, $0x1;
	_ =	swait.ge [sflag:s13], $0x8000  }
.Ltmp0:
0x32: {  	s30 =	sshll.u32 s20, $0x2;
	[sflag:s13] =	ssyncset.done $0x0;
	(pc) =	sbr.rel @!p0 .LBB2_2-.Ltmp0, $4  }
0x33: {  	s17 =	sadd.s32 s18, s30;
	[sflag:s13] =	ssyncadd.s32 $0xFFFF8000  }
0x34: {  	[hbm4b:s17+s3] =	stream.linear.scatter [tilespmem:s9], [sflag:$0x3], $0x8000, $0x38;
	[tilespmem:$0x10800] =	vst v63  }
0x35: {  	_ =	swait.ge [sflag:s4], $0x8000  }
0x36: {  	s18 =	sadd.s32 $0xFFFFFFFF, s31;
	[sflag:s4] =	ssyncset.done $0x0  }
.LBB2_1:
0x37: {  	p0 =	sne.s32 s18, $0x1;
	s18 =	sadd.s32 $0xFFFFFFFF, s18;
	[sflag:s4] =	ssyncadd.s32 $0xFFFF8000  }
0x38: {  	[tilespmem:s3], [sflag:$0x3] =	stream.linear.gather [hbm4b:s5+s3], $0x400, $0x38;
	[tilespmem:$0x10800] =	vst v63  }
0x39: {  	_ =	swait.ge [sflag:s4], $0x400  }
0x3a: {  	[sflag:s4] =	ssyncset.done $0x0  }
0x3b: {  	[sflag:s4] =	ssyncadd.s32 $0xFFFFFC00  }
0x3c: {  	[tilespmem:s7], [sflag:$0x1] =	stream.indirect.gather [hbm4b:s2+s6], $0x20, s3, s6, $0xb8;
	[tilespmem:$0x10800] =	vst v63  }
0x3d: {  	_ = 	snop  }
0x3e: {  	[tilespmem:s6], [sflag:$0x3] =	stream.linear.gather [hbm4b:s8+s3], $0x400, $0x38;
	[tilespmem:$0x10800] =	vst v63  }
0x3f: {  	_ =	swait.ge [sflag:s4], $0x400  }
0x40: {  	[sflag:s4] =	ssyncset.done $0x0  }
0x41: {  	[sflag:s4] =	ssyncadd.s32 $0xFFFFFC00  }
0x42: {  	[tilespmem:s9], [sflag:$0x2] =	stream.indirect.gather [hbm4b:s2+s6], $0x20, s6, s6, $0xb8;
	[tilespmem:$0x10800] =	vst v63  }
0x43: {  	_ =	swait.ge [sflag:s10], $0x8000  }
0x44: {  	[sflag:s10] =	ssyncset.done $0x0  }
0x45: {  	[sflag:s10] =	ssyncadd.s32 $0xFFFF8000  }
0x46: {  	[hbm4b:s11+s3] =	stream.linear.scatter [tilespmem:s7], [sflag:$0x3], $0x8000, $0x38;
	[tilespmem:$0x10800] =	vst v63  }
0x47: {  	_ =	swait.ge [sflag:s4], $0x8000  }
0x48: {  	[sflag:s4] =	ssyncset.done $0x0  }
0x49: {  	[sflag:s4] =	ssyncadd.s32 $0xFFFF8000  }
0x4a: {  	[tilespmem:s3], [sflag:$0x3] =	stream.linear.gather [hbm4b:s12+s3], $0x400, $0x38;
	[tilespmem:$0x10800] =	vst v63  }
0x4b: {  	_ =	swait.ge [sflag:s4], $0x400  }
0x4c: {  	[sflag:s4] =	ssyncset.done $0x0  }
0x4d: {  	[sflag:s4] =	ssyncadd.s32 $0xFFFFFC00  }
0x4e: {  	[tilespmem:s7], [sflag:$0x1] =	stream.indirect.gather [hbm4b:s2+s6], $0x20, s3, s6, $0xb8;
	[tilespmem:$0x10800] =	vst v63  }
0x4f: {  	_ =	swait.ge [sflag:s13], $0x8000  }
0x50: {  	[sflag:s13] =	ssyncset.done $0x0  }
0x51: {  	[sflag:s13] =	ssyncadd.s32 $0xFFFF8000  }
0x52: {  	[hbm4b:s14+s3] =	stream.linear.scatter [tilespmem:s9], [sflag:$0x3], $0x8000, $0x38;
	[tilespmem:$0x10800] =	vst v63  }
0x53: {  	_ =	swait.ge [sflag:s4], $0x8000  }
0x54: {  	[sflag:s4] =	ssyncset.done $0x0  }
0x55: {  	[sflag:s4] =	ssyncadd.s32 $0xFFFF8000  }
0x56: {  	[tilespmem:s6], [sflag:$0x3] =	stream.linear.gather [hbm4b:s15+s3], $0x400, $0x38;
	[tilespmem:$0x10800] =	vst v63  }
0x57: {  	_ =	swait.ge [sflag:s4], $0x400  }
0x58: {  	[sflag:s4] =	ssyncset.done $0x0  }
0x59: {  	[sflag:s4] =	ssyncadd.s32 $0xFFFFFC00  }
0x5a: {  	[tilespmem:s9], [sflag:$0x2] =	stream.indirect.gather [hbm4b:s2+s6], $0x20, s6, s6, $0xb8;
	[tilespmem:$0x10800] =	vst v63  }
0x5b: {  	_ =	swait.ge [sflag:s10], $0x8000  }
0x5c: {  	[sflag:s10] =	ssyncset.done $0x0  }
0x5d: {  	[sflag:s10] =	ssyncadd.s32 $0xFFFF8000  }
0x5e: {  	[hbm4b:s16+s3] =	stream.linear.scatter [tilespmem:s7], [sflag:$0x3], $0x8000, $0x38;
	[tilespmem:$0x10800] =	vst v63  }
0x5f: {  	_ =	swait.ge [sflag:s4], $0x8000  }
0x60: {  	[sflag:s4] =	ssyncset.done $0x0  }
0x61: {  	[sflag:s4] =	ssyncadd.s32 $0xFFFF8000  }
0x62: {  	_ =	swait.ge [sflag:s13], $0x8000  }
.Ltmp1:
0x63: {  	[sflag:s13] =	ssyncset.done $0x0;
	(pc) =	sbr.rel @p0 .LBB2_1-.Ltmp1, $4  }
0x64: {  	[sflag:s13] =	ssyncadd.s32 $0xFFFF8000  }
0x65: {  	[hbm4b:s17+s3] =	stream.linear.scatter [tilespmem:s9], [sflag:$0x3], $0x8000, $0x38;
	[tilespmem:$0x10800] =	vst v63  }
0x66: {  	_ =	swait.ge [sflag:s4], $0x8000  }
0x67: {  	[sflag:s4] =	ssyncset.done $0x0  }
.LBB2_2:
0x68: {  	[sflag:s4] =	ssyncadd.s32 $0xFFFF8000  }
0x69: {  	_ =	sfence.sel $0x180000  }
0x6a: {  	[bflag:$0x0] =	sbarrier.arrive $0xFFFF  }
0x6b: {  	p0 =	sne.s32 s0, $0x0;
	_ =	strace $0x90000047  }
0x6c: {  	s0 =	sadd.s32 @!p0 $0x100000, s1;
	[bflag:$0x2] =	sbarrier.arrive $0xFFFF  }
0x6d: {  	[sflag:s0] =	ssyncadd.tile.s32 @!p0 $0x1;
	_ =	shalt  }
.Lfunc_end2:
_tile_overlayer_lowered:
.L_overlay_start_2:
0x6e: {  	(tag) =	ssettag $0x2  }
0x6f: {  	s0 =	rddreg [dreg:$0x0];
	s2 =	stileid.u32  }
0x70: {  	s1 =	rddreg [dreg:$0x1];
	p0 =	sne.s32 s2, $0x0  }
0x71: {  	s3 =	rddreg [dreg:$0x2];
	[bflag:$0x3] =	sbarrier.arrive $0xFFFF;
	s2 =	simm.s32 @!p0 $0x1C03  }
0x72: {  	[timem:s3], [sflag:s2] =	dma.local @!p0 [hbm:s0], s1  }
0x73: {  	s0 =	simm.s32 @!p0 $0x3  }
0x74: {  	_ =	swait.ge @!p0 [sflag:s0], s1  }
0x75: {  	s1 =	ssub.s32 @!p0 $0x0, s1;
	[sflag:s0] =	ssyncset.done @!p0 $0x0  }
0x76: {  	[sflag:s0] =	ssyncadd.s32 @!p0 s1  }
0x77: {  	[bflag:$0x3] =	sbarrier.arrive $0xFFFF  }
0x78: {  	_ =	shalt  }

</sc_bundles>
